<compile_context>
chip_gen: v7x
topology: tpu7x:2x2x1
jax: 0.10.2.dev20260603
libtpu: 0.0.44.dev20260713+nightly
codegen_flags: <defaults>
</compile_context>

<pallas_src>
import functools

import jax
import jax.numpy as jnp
from jax import lax
from jax.experimental import pallas as pl
from jax.experimental.pallas import tpu as pltpu
from jax.experimental.pallas import tpu_sc as plsc

_N, _E, _D, _DE, _G, _DB, _T = 10000, 320000, 128, 16, 128, 256, 5
_NTILES = 32
_EPAD = 327680
_EPT = _EPAD // _NTILES
_NPAD = 10240
_RPT = _NPAD // 16


def _edge_mlp_body(ea_ref, we_ref, be_ref, out_ref):
    out_ref[...] = (
        jnp.dot(ea_ref[...], we_ref[...], preferred_element_type=jnp.float32)
        + be_ref[...]
    )


def _edge_mlp(ea_p, We, be_row):
    blk = 4096
    return pl.pallas_call(
        _edge_mlp_body,
        grid=(_EPAD // blk,),
        in_specs=[
            pl.BlockSpec((blk, _DE), lambda i: (i, 0)),
            pl.BlockSpec((_DE, _D), lambda i: (0, 0)),
            pl.BlockSpec((1, _D), lambda i: (0, 0)),
        ],
        out_specs=pl.BlockSpec((blk, _D), lambda i: (i, 0)),
        out_shape=jax.ShapeDtypeStruct((_EPAD, _D), jnp.float32),
    )(ea_p, We, be_row)


_CH = 80


def _edge_agg(src_p, dst_p, x, m):
    mesh = plsc.VectorSubcoreMesh(core_axis_name="c", subcore_axis_name="s")
    nch = _EPT // _CH
    half = nch // 2

    @functools.partial(
        pl.kernel,
        mesh=mesh,
        out_type=jax.ShapeDtypeStruct((2, _NPAD, _D), jnp.float32),
        scratch_types=[
            pltpu.VMEM((_CH,), jnp.int32),
            pltpu.VMEM((_CH,), jnp.int32),
            pltpu.VMEM((_CH,), jnp.int32),
            pltpu.VMEM((_CH,), jnp.int32),
            pltpu.VMEM((_CH, _D), jnp.float32),
            pltpu.VMEM((_CH, _D), jnp.float32),
            pltpu.VMEM((_CH, _D), jnp.float32),
            pltpu.VMEM((_CH, _D), jnp.float32),
            pltpu.VMEM_SHARED((_NPAD, _D), jnp.float32),
            pltpu.SemaphoreType.DMA,
            pltpu.SemaphoreType.DMA,
            pltpu.SemaphoreType.DMA,
            pltpu.SemaphoreType.DMA,
            pltpu.SemaphoreType.DMA,
            pltpu.SemaphoreType.DMA,
        ],
    )
    def k(src_hbm, dst_hbm, x_hbm, m_hbm, out_hbm, sv0, dv0, sv1, dv1,
          xr0, mr0, xr1, mr1, agg_sh, i0, i1, g0, g1, m0, m1):
        cid = lax.axis_index("c")
        sid = lax.axis_index("s")
        wid = cid * 16 + sid
        ebase = wid * _EPT

        zero = jnp.zeros((16,), jnp.float32)

        def zrow(r, _):
            for g in range(8):
                xr0[r, pl.ds(g * 16, 16)] = zero
            return 0

        lax.fori_loop(0, _CH, zrow, 0)

        def zcp(j, _):
            pltpu.sync_copy(xr0,
                            agg_sh.at[pl.ds(sid * _RPT + j * _CH, _CH), :])
            return 0

        lax.fori_loop(0, _RPT // _CH, zcp, 0)
        plsc.subcore_barrier()

        def issue_idx(j, sv, dv, isem):
            pltpu.async_copy(src_hbm.at[pl.ds(ebase + j * _CH, _CH)], sv, isem)
            pltpu.async_copy(dst_hbm.at[pl.ds(ebase + j * _CH, _CH)], dv, isem)

        def wait_idx(j, sv, dv, isem):
            pltpu.make_async_copy(
                src_hbm.at[pl.ds(ebase + j * _CH, _CH)], sv, isem).wait()
            pltpu.make_async_copy(
                dst_hbm.at[pl.ds(ebase + j * _CH, _CH)], dv, isem).wait()

        def issue_data(j, sv, xr, mr, gs, ms):
            pltpu.async_copy(x_hbm.at[sv], xr, gs)
            pltpu.async_copy(m_hbm.at[pl.ds(ebase + j * _CH, _CH), :], mr, ms)

        def wait_data(j, sv, xr, mr, gs, ms):
            pltpu.make_async_copy(x_hbm.at[sv], xr, gs).wait()
            pltpu.make_async_copy(
                m_hbm.at[pl.ds(ebase + j * _CH, _CH), :], mr, ms).wait()

        def process(dv, xr, mr):
            def row(r, _2):
                for rr in range(2):
                    for g in range(8):
                        sl = pl.ds(g * 16, 16)
                        mr[2 * r + rr, sl] = jnp.maximum(
                            xr[2 * r + rr, sl] + mr[2 * r + rr, sl], 0.0)
                return 0

            lax.fori_loop(0, _CH // 2, row, 0)
            pltpu.sync_copy(mr, agg_sh.at[dv], add=True)

        issue_idx(0, sv0, dv0, i0)
        wait_idx(0, sv0, dv0, i0)
        issue_data(0, sv0, xr0, mr0, g0, m0)
        issue_idx(1, sv1, dv1, i1)

        def body(t, _):
            j0 = 2 * t
            wait_idx(j0 + 1, sv1, dv1, i1)
            issue_data(j0 + 1, sv1, xr1, mr1, g1, m1)
            wait_data(j0, sv0, xr0, mr0, g0, m0)
            process(dv0, xr0, mr0)

            @pl.when(t < half - 1)
            def _():
                issue_idx(j0 + 2, sv0, dv0, i0)

            wait_data(j0 + 1, sv1, xr1, mr1, g1, m1)
            process(dv1, xr1, mr1)

            @pl.when(t < half - 1)
            def _():
                wait_idx(j0 + 2, sv0, dv0, i0)
                issue_data(j0 + 2, sv0, xr0, mr0, g0, m0)
                issue_idx(j0 + 3, sv1, dv1, i1)

            return 0

        lax.fori_loop(0, half, body, 0)
        plsc.subcore_barrier()

        def wb(j, _):
            off = sid * _RPT + j * _CH
            pltpu.sync_copy(agg_sh.at[pl.ds(off, _CH), :], xr0)
            pltpu.sync_copy(xr0, out_hbm.at[cid, pl.ds(off, _CH), :])
            return 0

        lax.fori_loop(0, _RPT // _CH, wb, 0)

    return k(src_p, dst_p, x, m)


def _head_body(x_ref, a0_ref, a1_ref, b_ref, w1_ref, b1_ref, w2_ref, b2_ref,
               wb1_ref, bb1_ref, wb2_ref, bb2_ref, wh_ref, bh_ref, out_ref,
               sums_ref, cnt_ref):
    i = pl.program_id(0)

    @pl.when(i == 0)
    def _():
        sums_ref[...] = jnp.zeros_like(sums_ref)
        cnt_ref[...] = jnp.zeros_like(cnt_ref)

    rows = x_ref[...] + a0_ref[...] + a1_ref[...]
    h = jnp.maximum(
        jnp.dot(rows, w1_ref[...], preferred_element_type=jnp.float32)
        + b1_ref[...], 0.0)
    hn = (jnp.dot(h, w2_ref[...], preferred_element_type=jnp.float32)
          + b2_ref[...])
    bblk = b_ref[0]
    p = (lax.broadcasted_iota(jnp.int32, (_G, bblk.shape[1]), 0)
         == bblk).astype(jnp.float32)
    sums_ref[...] += jnp.dot(p, hn, preferred_element_type=jnp.float32)
    cnt_ref[...] += jnp.dot(p, jnp.ones((bblk.shape[1], _D), jnp.float32),
                            preferred_element_type=jnp.float32)

    @pl.when(i == pl.num_programs(0) - 1)
    def _():
        hg = sums_ref[...] / jnp.maximum(cnt_ref[...], 1.0)
        hs = jnp.maximum(
            jnp.dot(hg, wb1_ref[...], preferred_element_type=jnp.float32)
            + bb1_ref[...], 0.0)
        hs2 = jnp.maximum(
            jnp.dot(hs, wb2_ref[...], preferred_element_type=jnp.float32)
            + bb2_ref[...], 0.0)
        out_ref[...] = (
            jnp.dot(hs2, wh_ref[...], preferred_element_type=jnp.float32)
            + bh_ref[...])


def _head(x, a0, a1, batch3, W1, b1r, W2, b2r, Wb1, bb1r, Wb2, bb2r, Whp, bhp):
    nblk, rows = 10, _N // 10
    return pl.pallas_call(
        _head_body,
        grid=(nblk,),
        in_specs=[
            pl.BlockSpec((rows, _D), lambda i: (i, 0)),
            pl.BlockSpec((rows, _D), lambda i: (i, 0)),
            pl.BlockSpec((rows, _D), lambda i: (i, 0)),
            pl.BlockSpec((1, 1, rows), lambda i: (i, 0, 0)),
            pl.BlockSpec((_D, _D), lambda i: (0, 0)),
            pl.BlockSpec((1, _D), lambda i: (0, 0)),
            pl.BlockSpec((_D, _D), lambda i: (0, 0)),
            pl.BlockSpec((1, _D), lambda i: (0, 0)),
            pl.BlockSpec((_D, _D), lambda i: (0, 0)),
            pl.BlockSpec((1, _D), lambda i: (0, 0)),
            pl.BlockSpec((_D, _DB), lambda i: (0, 0)),
            pl.BlockSpec((1, _DB), lambda i: (0, 0)),
            pl.BlockSpec((_DB, _D), lambda i: (0, 0)),
            pl.BlockSpec((1, _D), lambda i: (0, 0)),
        ],
        out_specs=pl.BlockSpec((_G, _D), lambda i: (0, 0)),
        out_shape=jax.ShapeDtypeStruct((_G, _D), jnp.float32),
        scratch_shapes=[
            pltpu.VMEM((_G, _D), jnp.float32),
            pltpu.VMEM((_G, _D), jnp.float32),
        ],
    )(x, a0, a1, batch3, W1, b1r, W2, b2r, Wb1, bb1r, Wb2, bb2r, Whp, bhp)


def kernel(x, edge_index, edge_attr, batch, We, be, W1, b1, W2, b2, Wb1, bb1,
           Wb2, bb2, Wh, bh):
    pad_e = _EPAD - _E
    src_p = jnp.concatenate([edge_index[0],
                             jnp.zeros((pad_e,), jnp.int32)])
    dst_p = jnp.concatenate([edge_index[1],
                             _N + (jnp.arange(pad_e, dtype=jnp.int32)
                                   % (_NPAD - _N))])
    ea_p = jnp.concatenate([edge_attr,
                            jnp.zeros((pad_e, _DE), jnp.float32)])

    m = _edge_mlp(ea_p, We, be.reshape(1, _D))
    agg2 = _edge_agg(src_p, dst_p, x, m)

    whp = jnp.pad(Wh, ((0, 0), (0, _D - _T)))
    bhp = jnp.pad(bh, (0, _D - _T)).reshape(1, _D)
    out = _head(x, agg2[0, :_N], agg2[1, :_N], batch.reshape(10, 1, _N // 10),
                W1, b1.reshape(1, _D), W2, b2.reshape(1, _D),
                Wb1, bb1.reshape(1, _D), Wb2, bb2.reshape(1, _DB), whp, bhp)
    return out[:, :_T]

# --- scband reference (transcript-rebuilt; emitter-appended) ---
"""Pipeline reference for scband-joint-mol-embedder-70300024701671 (READ-ONLY COPY).

The authoritative reference and input builder live on the scoring server;
editing this copy changes nothing except your own understanding.
"""

import jax, jax.numpy as jnp
import numpy as np

N, E, D, DE, G, DB, T = 10000, 320000, 128, 16, 128, 256, 5

def setup_inputs(seed: int = 0):
    key = jax.random.key(seed)
    ks = jax.random.split(key, 16)
    x = jax.random.normal(ks[0], (N, D), dtype=jnp.float32)
    edge_index = jax.random.randint(ks[1], (2, E), 0, N, dtype=jnp.int32)
    edge_attr = jax.random.normal(ks[2], (E, DE), dtype=jnp.float32)
    batch = jnp.sort(jax.random.randint(ks[3], (N,), 0, G, dtype=jnp.int32))
    def lin(k, fan_in, fan_out):
        return jax.random.normal(k, (fan_in, fan_out), dtype=jnp.float32) / np.sqrt(fan_in)
    We = lin(ks[4], DE, D); be = jnp.zeros((D,), jnp.float32)
    W1 = lin(ks[5], D, D); b1 = jnp.zeros((D,), jnp.float32)
    W2 = lin(ks[6], D, D); b2 = jnp.zeros((D,), jnp.float32)
    Wb1 = lin(ks[7], D, D); bb1 = jnp.zeros((D,), jnp.float32)
    Wb2 = lin(ks[8], D, DB); bb2 = jnp.zeros((DB,), jnp.float32)
    Wh = lin(ks[9], DB, T); bh = jnp.zeros((T,), jnp.float32)
    return {"x": x, "edge_index": edge_index, "edge_attr": edge_attr, "batch": batch,
            "We": We, "be": be, "W1": W1, "b1": b1, "W2": W2, "b2": b2,
            "Wb1": Wb1, "bb1": bb1, "Wb2": Wb2, "bb2": bb2, "Wh": Wh, "bh": bh}

def reference(x, edge_index, edge_attr, batch, We, be, W1, b1, W2, b2, Wb1, bb1, Wb2, bb2, Wh, bh):
    src = edge_index[0]
    dst = edge_index[1]
    # backbone.encode: GINE-style conv -> node embeddings [N, D]
    msg = jax.nn.relu(x[src] + edge_attr @ We + be)
    agg = jax.ops.segment_sum(msg, dst, num_segments=N)
    h = x + agg
    h = jax.nn.relu(h @ W1 + b1)
    h_node = h @ W2 + b2
    # global_mean_pool over batch assignment
    sums = jax.ops.segment_sum(h_node, batch, num_segments=G)
    counts = jax.ops.segment_sum(jnp.ones((N, 1), jnp.float32), batch, num_segments=G)
    h_graph = sums / jnp.maximum(counts, 1.0)
    # semantic bottleneck (dropout = identity at inference)
    hs = jax.nn.relu(h_graph @ Wb1 + bb1)
    hs = jax.nn.relu(hs @ Wb2 + bb2)
    # task head (unactivated)
    return hs @ Wh + bh

if __name__ == "__main__":
    import jax
    _d = setup_inputs()
    print(jax.jit(kernel)(*tuple(_d.values())))

</pallas_src>

<mosaic_0001>
#map = affine_map<(d0, d1) -> (0)>
#map1 = affine_map<(d0, d1) -> (0, 0)>
#map2 = affine_map<(d0, d1) -> (0, 0, 0)>
module attributes {stable_mosaic.version = 14 : i64} {
  func.func @k(%arg0: i32, %arg1: i32, %arg2: memref<327680xi32, #tpu.memory_space<hbm>>, %arg3: memref<327680xi32, #tpu.memory_space<hbm>>, %arg4: memref<10000x128xf32, #tpu.memory_space<hbm>>, %arg5: memref<327680x128xf32, #tpu.memory_space<hbm>>, %arg6: memref<2x10240x128xf32, #tpu.memory_space<hbm>>, %arg7: memref<80xi32, #tpu.memory_space<vmem>>, %arg8: memref<80xi32, #tpu.memory_space<vmem>>, %arg9: memref<80xi32, #tpu.memory_space<vmem>>, %arg10: memref<80xi32, #tpu.memory_space<vmem>>, %arg11: memref<80x128xf32, #tpu.memory_space<vmem>>, %arg12: memref<80x128xf32, #tpu.memory_space<vmem>>, %arg13: memref<80x128xf32, #tpu.memory_space<vmem>>, %arg14: memref<80x128xf32, #tpu.memory_space<vmem>>, %arg15: memref<10240x128xf32, #tpu.memory_space<vmem_shared>>, %arg16: memref<!tpu.dma_semaphore, #tpu.memory_space<semaphore_mem>>, %arg17: memref<!tpu.dma_semaphore, #tpu.memory_space<semaphore_mem>>, %arg18: memref<!tpu.dma_semaphore, #tpu.memory_space<semaphore_mem>>, %arg19: memref<!tpu.dma_semaphore, #tpu.memory_space<semaphore_mem>>, %arg20: memref<!tpu.dma_semaphore, #tpu.memory_space<semaphore_mem>>, %arg21: memref<!tpu.dma_semaphore, #tpu.memory_space<semaphore_mem>>) attributes {dimension_semantics = [#tpu.dimension_semantics<core_parallel>, #tpu.dimension_semantics<subcore_parallel>], iteration_bounds = array<i64: 2, 16>, scalar_prefetch = 0 : i64, scratch_operands = 15 : i64, tpu.core_type = #tpu.core_type<sc_vector_subcore>, window_params = [{transform_indices = #map}, {transform_indices = #map}, {transform_indices = #map1}, {transform_indices = #map1}, {transform_indices = #map2}]} {
    %mul3A = arith.constant 16 : i32
    %mul3A_0 = arith.muli %arg0, %mul3A : i32
    %add3A = arith.addi %mul3A_0, %arg1 : i32
    %mul3A_1 = arith.constant 10240 : i32
    %mul3A_2 = arith.muli %add3A, %mul3A_1 : i32
    %broadcast_in_dim3A = arith.constant 0.000000e+00 : f32
    %broadcast_in_dim3A_3 = vector.broadcast %broadcast_in_dim3A : f32 to vector<16xf32>
    %scan3A = arith.constant 0 : i32
    %scan3A_4 = arith.constant 0 : i32
    %scan3A_5 = arith.constant 80 : i32
    %scan3A_6 = arith.addi %scan3A_4, %scan3A_5 : i32
    %scan3A_7 = arith.constant 1 : i32
    %scan3A_8 = scf.for %scan3A_63 = %scan3A_4 to %scan3A_6 step %scan3A_7 iter_args(%scan3A_64 = %scan3A) -> (i32)  : i32 {
      %swap3A = arith.index_cast %scan3A_63 : i32 to index
      %swap3A_65 = arith.constant 0 : index
      %swap3A_66 = tpu.vector_load %arg11[%swap3A, %swap3A_65] {strides = array<i32>} : memref<80x128xf32, #tpu.memory_space<vmem>>, vector<1x16xf32>,
      %swap3A_67 = vector.shape_cast %swap3A_66 : vector<1x16xf32> to vector<16xf32>
      %swap3A_68 = vector.shape_cast %broadcast_in_dim3A_3 : vector<16xf32> to vector<1x16xf32>
      tpu.vector_store %arg11[%swap3A, %swap3A_65], %swap3A_68 {strides = array<i32>} : memref<80x128xf32, #tpu.memory_space<vmem>>, vector<1x16xf32>,
      %swap3A_69 = arith.index_cast %scan3A_63 : i32 to index
      %swap3A_70 = arith.constant 16 : index
      %swap3A_71 = tpu.vector_load %arg11[%swap3A_69, %swap3A_70] {strides = array<i32>} : memref<80x128xf32, #tpu.memory_space<vmem>>, vector<1x16xf32>,
      %swap3A_72 = vector.shape_cast %swap3A_71 : vector<1x16xf32> to vector<16xf32>
      %swap3A_73 = vector.shape_cast %broadcast_in_dim3A_3 : vector<16xf32> to vector<1x16xf32>
      tpu.vector_store %arg11[%swap3A_69, %swap3A_70], %swap3A_73 {strides = array<i32>} : memref<80x128xf32, #tpu.memory_space<vmem>>, vector<1x16xf32>,
      %swap3A_74 = arith.index_cast %scan3A_63 : i32 to index
      %swap3A_75 = arith.constant 32 : index
      %swap3A_76 = tpu.vector_load %arg11[%swap3A_74, %swap3A_75] {strides = array<i32>} : memref<80x128xf32, #tpu.memory_space<vmem>>, vector<1x16xf32>,
      %swap3A_77 = vector.shape_cast %swap3A_76 : vector<1x16xf32> to vector<16xf32>
      %swap3A_78 = vector.shape_cast %broadcast_in_dim3A_3 : vector<16xf32> to vector<1x16xf32>
      tpu.vector_store %arg11[%swap3A_74, %swap3A_75], %swap3A_78 {strides = array<i32>} : memref<80x128xf32, #tpu.memory_space<vmem>>, vector<1x16xf32>,
      %swap3A_79 = arith.index_cast %scan3A_63 : i32 to index
      %swap3A_80 = arith.constant 48 : index
      %swap3A_81 = tpu.vector_load %arg11[%swap3A_79, %swap3A_80] {strides = array<i32>} : memref<80x128xf32, #tpu.memory_space<vmem>>, vector<1x16xf32>,
      %swap3A_82 = vector.shape_cast %swap3A_81 : vector<1x16xf32> to vector<16xf32>
      %swap3A_83 = vector.shape_cast %broadcast_in_dim3A_3 : vector<16xf32> to vector<1x16xf32>
      tpu.vector_store %arg11[%swap3A_79, %swap3A_80], %swap3A_83 {strides = array<i32>} : memref<80x128xf32, #tpu.memory_space<vmem>>, vector<1x16xf32>,
      %swap3A_84 = arith.index_cast %scan3A_63 : i32 to index
      %swap3A_85 = arith.constant 64 : index
      %swap3A_86 = tpu.vector_load %arg11[%swap3A_84, %swap3A_85] {strides = array<i32>} : memref<80x128xf32, #tpu.memory_space<vmem>>, vector<1x16xf32>,
      %swap3A_87 = vector.shape_cast %swap3A_86 : vector<1x16xf32> to vector<16xf32>
      %swap3A_88 = vector.shape_cast %broadcast_in_dim3A_3 : vector<16xf32> to vector<1x16xf32>
      tpu.vector_store %arg11[%swap3A_84, %swap3A_85], %swap3A_88 {strides = array<i32>} : memref<80x128xf32, #tpu.memory_space<vmem>>, vector<1x16xf32>,
      %swap3A_89 = arith.index_cast %scan3A_63 : i32 to index
      %swap3A_90 = arith.constant 80 : index
      %swap3A_91 = tpu.vector_load %arg11[%swap3A_89, %swap3A_90] {strides = array<i32>} : memref<80x128xf32, #tpu.memory_space<vmem>>, vector<1x16xf32>,
      %swap3A_92 = vector.shape_cast %swap3A_91 : vector<1x16xf32> to vector<16xf32>
      %swap3A_93 = vector.shape_cast %broadcast_in_dim3A_3 : vector<16xf32> to vector<1x16xf32>
      tpu.vector_store %arg11[%swap3A_89, %swap3A_90], %swap3A_93 {strides = array<i32>} : memref<80x128xf32, #tpu.memory_space<vmem>>, vector<1x16xf32>,
      %swap3A_94 = arith.index_cast %scan3A_63 : i32 to index
      %swap3A_95 = arith.constant 96 : index
      %swap3A_96 = tpu.vector_load %arg11[%swap3A_94, %swap3A_95] {strides = array<i32>} : memref<80x128xf32, #tpu.memory_space<vmem>>, vector<1x16xf32>,
      %swap3A_97 = vector.shape_cast %swap3A_96 : vector<1x16xf32> to vector<16xf32>
      %swap3A_98 = vector.shape_cast %broadcast_in_dim3A_3 : vector<16xf32> to vector<1x16xf32>
      tpu.vector_store %arg11[%swap3A_94, %swap3A_95], %swap3A_98 {strides = array<i32>} : memref<80x128xf32, #tpu.memory_space<vmem>>, vector<1x16xf32>,
      %swap3A_99 = arith.index_cast %scan3A_63 : i32 to index
      %swap3A_100 = arith.constant 112 : index
      %swap3A_101 = tpu.vector_load %arg11[%swap3A_99, %swap3A_100] {strides = array<i32>} : memref<80x128xf32, #tpu.memory_space<vmem>>, vector<1x16xf32>,
      %swap3A_102 = vector.shape_cast %swap3A_101 : vector<1x16xf32> to vector<16xf32>
      %swap3A_103 = vector.shape_cast %broadcast_in_dim3A_3 : vector<16xf32> to vector<1x16xf32>
      tpu.vector_store %arg11[%swap3A_99, %swap3A_100], %swap3A_103 {strides = array<i32>} : memref<80x128xf32, #tpu.memory_space<vmem>>, vector<1x16xf32>,
      %scan3A_104 = arith.constant 0 : i32
      scf.yield %scan3A_104 : i32
    }
    %scan3A_9 = arith.constant 80 : i32
    %scan3A_10 = arith.constant 0 : i32
    %scan3A_11 = arith.constant 0 : i32
    %scan3A_12 = arith.constant 8 : i32
    %scan3A_13 = arith.addi %scan3A_11, %scan3A_12 : i32
    %scan3A_14 = arith.constant 1 : i32
    %scan3A_15 = scf.for %scan3A_63 = %scan3A_11 to %scan3A_13 step %scan3A_14 iter_args(%scan3A_64 = %scan3A_10) -> (i32)  : i32 {
      %mul3A_65 = arith.constant 640 : i32
      %mul3A_66 = arith.muli %arg1, %mul3A_65 : i32
      %mul3A_67 = arith.constant 80 : i32
      %mul3A_68 = arith.muli %scan3A_63, %mul3A_67 : i32
      %add3A_69 = arith.addi %mul3A_66, %mul3A_68 : i32
      "tpu.region"() ({
        %run_scoped3A = tpu.sem_alloc : memref<!tpu.dma_semaphore, #tpu.memory_space<semaphore_mem>>
        %dma_start3A_71 = arith.constant 0 : i32
        %dma_start3A_72 = tpu.memref_slice %arg15[%add3A_69, %dma_start3A_71] : memref<10240x128xf32, #tpu.memory_space<vmem_shared>> -> memref<80x128xf32, #tpu.memory_space<vmem_shared>>
        %dma_start3A_73 = arith.constant 0 : i32
        %dma_start3A_74 = tpu.memref_slice %arg15[%add3A_69, %dma_start3A_73] : memref<10240x128xf32, #tpu.memory_space<vmem_shared>> -> memref<80x128xf32, #tpu.memory_space<vmem_shared>>
        tpu.enqueue_dma source(%arg11 : memref<80x128xf32, #tpu.memory_space<vmem>>) target(%dma_start3A_74 : memref<80x128xf32, #tpu.memory_space<vmem_shared>>) target_semaphore(%run_scoped3A : memref<!tpu.dma_semaphore, #tpu.memory_space<semaphore_mem>>)
        %dma_wait3A_75 = arith.constant 0 : i32
        %dma_wait3A_76 = tpu.memref_slice %arg15[%add3A_69, %dma_wait3A_75] : memref<10240x128xf32, #tpu.memory_space<vmem_shared>> -> memref<80x128xf32, #tpu.memory_space<vmem_shared>>
        %dma_wait3A_77 = arith.constant 0 : i32
        %dma_wait3A_78 = tpu.memref_slice %arg15[%add3A_69, %dma_wait3A_77] : memref<10240x128xf32, #tpu.memory_space<vmem_shared>> -> memref<80x128xf32, #tpu.memory_space<vmem_shared>>
        tpu.wait_dma2 semaphore(%run_scoped3A : memref<!tpu.dma_semaphore, #tpu.memory_space<semaphore_mem>>) src(%arg11 : memref<80x128xf32, #tpu.memory_space<vmem>>) dst(%dma_wait3A_78 : memref<80x128xf32, #tpu.memory_space<vmem_shared>>)
        tpu.yield
      }) : () -> ()
      %scan3A_70 = arith.constant 0 : i32
      scf.yield %scan3A_70 : i32
    }
    %scan3A_16 = arith.constant 8 : i32
    %barrier3A = arith.constant 0 : index
    tpu.barrier barrier_id(%barrier3A)
    %add3A_17 = arith.constant 0 : i32
    %add3A_18 = arith.addi %mul3A_2, %add3A_17 : i32
    %dma_start3A = tpu.memref_slice %arg2[%add3A_18] : memref<327680xi32, #tpu.memory_space<hbm>> -> memref<80xi32, #tpu.memory_space<hbm>>
    %dma_start3A_19 = tpu.memref_slice %arg2[%add3A_18] : memref<327680xi32, #tpu.memory_space<hbm>> -> memref<80xi32, #tpu.memory_space<hbm>>
    tpu.enqueue_dma source(%dma_start3A_19 : memref<80xi32, #tpu.memory_space<hbm>>) target(%arg7 : memref<80xi32, #tpu.memory_space<vmem>>) target_semaphore(%arg16 : memref<!tpu.dma_semaphore, #tpu.memory_space<semaphore_mem>>)
    %add3A_20 = arith.constant 0 : i32
    %add3A_21 = arith.addi %mul3A_2, %add3A_20 : i32
    %dma_start3A_22 = tpu.memref_slice %arg3[%add3A_21] : memref<327680xi32, #tpu.memory_space<hbm>> -> memref<80xi32, #tpu.memory_space<hbm>>
    %dma_start3A_23 = tpu.memref_slice %arg3[%add3A_21] : memref<327680xi32, #tpu.memory_space<hbm>> -> memref<80xi32, #tpu.memory_space<hbm>>
    tpu.enqueue_dma source(%dma_start3A_23 : memref<80xi32, #tpu.memory_space<hbm>>) target(%arg8 : memref<80xi32, #tpu.memory_space<vmem>>) target_semaphore(%arg16 : memref<!tpu.dma_semaphore, #tpu.memory_space<semaphore_mem>>)
    %add3A_24 = arith.constant 0 : i32
    %add3A_25 = arith.addi %mul3A_2, %add3A_24 : i32
    %dma_wait3A = tpu.memref_slice %arg2[%add3A_25] : memref<327680xi32, #tpu.memory_space<hbm>> -> memref<80xi32, #tpu.memory_space<hbm>>
    %dma_wait3A_26 = tpu.memref_slice %arg2[%add3A_25] : memref<327680xi32, #tpu.memory_space<hbm>> -> memref<80xi32, #tpu.memory_space<hbm>>
    tpu.wait_dma2 semaphore(%arg16 : memref<!tpu.dma_semaphore, #tpu.memory_space<semaphore_mem>>) src(%dma_wait3A_26 : memref<80xi32, #tpu.memory_space<hbm>>) dst(%arg7 : memref<80xi32, #tpu.memory_space<vmem>>)
    %add3A_27 = arith.constant 0 : i32
    %add3A_28 = arith.addi %mul3A_2, %add3A_27 : i32
    %dma_wait3A_29 = tpu.memref_slice %arg3[%add3A_28] : memref<327680xi32, #tpu.memory_space<hbm>> -> memref<80xi32, #tpu.memory_space<hbm>>
    %dma_wait3A_30 = tpu.memref_slice %arg3[%add3A_28] : memref<327680xi32, #tpu.memory_space<hbm>> -> memref<80xi32, #tpu.memory_space<hbm>>
    tpu.wait_dma2 semaphore(%arg16 : memref<!tpu.dma_semaphore, #tpu.memory_space<semaphore_mem>>) src(%dma_wait3A_30 : memref<80xi32, #tpu.memory_space<hbm>>) dst(%arg8 : memref<80xi32, #tpu.memory_space<vmem>>)
    %dma_start3A_31 = arith.constant 0 : i32
    %dma_start3A_32 = arith.constant 0 : i32
    %dma_start3A_33 = tpu.memref_slice %arg4[%dma_start3A_31, %dma_start3A_32] : memref<10000x128xf32, #tpu.memory_space<hbm>> -> memref<10000x128xf32, #tpu.memory_space<hbm>>
    tpu.enqueue_indirect_dma source(%dma_start3A_33 : memref<10000x128xf32, #tpu.memory_space<hbm>>) target(%arg11 : memref<80x128xf32, #tpu.memory_space<vmem>>) offsets(%arg7 : memref<80xi32, #tpu.memory_space<vmem>>) semaphore(%arg18 : memref<!tpu.dma_semaphore, #tpu.memory_space<semaphore_mem>>)
    %add3A_34 = arith.constant 0 : i32
    %add3A_35 = arith.addi %mul3A_2, %add3A_34 : i32
    %dma_start3A_36 = arith.constant 0 : i32
    %dma_start3A_37 = tpu.memref_slice %arg5[%add3A_35, %dma_start3A_36] : memref<327680x128xf32, #tpu.memory_space<hbm>> -> memref<80x128xf32, #tpu.memory_space<hbm>>
    %dma_start3A_38 = arith.constant 0 : i32
    %dma_start3A_39 = tpu.memref_slice %arg5[%add3A_35, %dma_start3A_38] : memref<327680x128xf32, #tpu.memory_space<hbm>> -> memref<80x128xf32, #tpu.memory_space<hbm>>
    tpu.enqueue_dma source(%dma_start3A_39 : memref<80x128xf32, #tpu.memory_space<hbm>>) target(%arg12 : memref<80x128xf32, #tpu.memory_space<vmem>>) target_semaphore(%arg20 : memref<!tpu.dma_semaphore, #tpu.memory_space<semaphore_mem>>)
    %add3A_40 = arith.constant 80 : i32
    %add3A_41 = arith.addi %mul3A_2, %add3A_40 : i32
    %dma_start3A_42 = tpu.memref_slice %arg2[%add3A_41] : memref<327680xi32, #tpu.memory_space<hbm>> -> memref<80xi32, #tpu.memory_space<hbm>>
    %dma_start3A_43 = tpu.memref_slice %arg2[%add3A_41] : memref<327680xi32, #tpu.memory_space<hbm>> -> memref<80xi32, #tpu.memory_space<hbm>>
    tpu.enqueue_dma source(%dma_start3A_43 : memref<80xi32, #tpu.memory_space<hbm>>) target(%arg9 : memref<80xi32, #tpu.memory_space<vmem>>) target_semaphore(%arg17 : memref<!tpu.dma_semaphore, #tpu.memory_space<semaphore_mem>>)
    %add3A_44 = arith.constant 80 : i32
    %add3A_45 = arith.addi %mul3A_2, %add3A_44 : i32
    %dma_start3A_46 = tpu.memref_slice %arg3[%add3A_45] : memref<327680xi32, #tpu.memory_space<hbm>> -> memref<80xi32, #tpu.memory_space<hbm>>
    %dma_start3A_47 = tpu.memref_slice %arg3[%add3A_45] : memref<327680xi32, #tpu.memory_space<hbm>> -> memref<80xi32, #tpu.memory_space<hbm>>
    tpu.enqueue_dma source(%dma_start3A_47 : memref<80xi32, #tpu.memory_space<hbm>>) target(%arg10 : memref<80xi32, #tpu.memory_space<vmem>>) target_semaphore(%arg17 : memref<!tpu.dma_semaphore, #tpu.memory_space<semaphore_mem>>)
    %scan3A_48 = arith.constant 0 : i32
    %scan3A_49 = arith.constant 0 : i32
    %scan3A_50 = arith.constant 64 : i32
    %scan3A_51 = arith.addi %scan3A_49, %scan3A_50 : i32
    %scan3A_52 = arith.constant 1 : i32
    %scan3A_53 = scf.for %scan3A_63 = %scan3A_49 to %scan3A_51 step %scan3A_52 iter_args(%scan3A_64 = %scan3A_48) -> (i32)  : i32 {
      %mul3A_65 = arith.constant 2 : i32
      %mul3A_66 = arith.muli %mul3A_65, %scan3A_63 : i32
      %add3A_67 = arith.constant 1 : i32
      %add3A_68 = arith.addi %mul3A_66, %add3A_67 : i32
      %mul3A_69 = arith.constant 80 : i32
      %mul3A_70 = arith.muli %add3A_68, %mul3A_69 : i32
      %add3A_71 = arith.addi %mul3A_2, %mul3A_70 : i32
      %dma_wait3A_72 = tpu.memref_slice %arg2[%add3A_71] : memref<327680xi32, #tpu.memory_space<hbm>> -> memref<80xi32, #tpu.memory_space<hbm>>
      %dma_wait3A_73 = tpu.memref_slice %arg2[%add3A_71] : memref<327680xi32, #tpu.memory_space<hbm>> -> memref<80xi32, #tpu.memory_space<hbm>>
      tpu.wait_dma2 semaphore(%arg17 : memref<!tpu.dma_semaphore, #tpu.memory_space<semaphore_mem>>) src(%dma_wait3A_73 : memref<80xi32, #tpu.memory_space<hbm>>) dst(%arg9 : memref<80xi32, #tpu.memory_space<vmem>>)
      %mul3A_74 = arith.constant 80 : i32
      %mul3A_75 = arith.muli %add3A_68, %mul3A_74 : i32
      %add3A_76 = arith.addi %mul3A_2, %mul3A_75 : i32
      %dma_wait3A_77 = tpu.memref_slice %arg3[%add3A_76] : memref<327680xi32, #tpu.memory_space<hbm>> -> memref<80xi32, #tpu.memory_space<hbm>>
      %dma_wait3A_78 = tpu.memref_slice %arg3[%add3A_76] : memref<327680xi32, #tpu.memory_space<hbm>> -> memref<80xi32, #tpu.memory_space<hbm>>
      tpu.wait_dma2 semaphore(%arg17 : memref<!tpu.dma_semaphore, #tpu.memory_space<semaphore_mem>>) src(%dma_wait3A_78 : memref<80xi32, #tpu.memory_space<hbm>>) dst(%arg10 : memref<80xi32, #tpu.memory_space<vmem>>)
      %add3A_79 = arith.constant 1 : i32
      %add3A_80 = arith.addi %mul3A_66, %add3A_79 : i32
      %dma_start3A_81 = arith.constant 0 : i32
      %dma_start3A_82 = arith.constant 0 : i32
      %dma_start3A_83 = tpu.memref_slice %arg4[%dma_start3A_81, %dma_start3A_82] : memref<10000x128xf32, #tpu.memory_space<hbm>> -> memref<10000x128xf32, #tpu.memory_space<hbm>>
      tpu.enqueue_indirect_dma source(%dma_start3A_83 : memref<10000x128xf32, #tpu.memory_space<hbm>>) target(%arg13 : memref<80x128xf32, #tpu.memory_space<vmem>>) offsets(%arg9 : memref<80xi32, #tpu.memory_space<vmem>>) semaphore(%arg19 : memref<!tpu.dma_semaphore, #tpu.memory_space<semaphore_mem>>)
      %mul3A_84 = arith.constant 80 : i32
      %mul3A_85 = arith.muli %add3A_80, %mul3A_84 : i32
      %add3A_86 = arith.addi %mul3A_2, %mul3A_85 : i32
      %dma_start3A_87 = arith.constant 0 : i32
      %dma_start3A_88 = tpu.memref_slice %arg5[%add3A_86, %dma_start3A_87] : memref<327680x128xf32, #tpu.memory_space<hbm>> -> memref<80x128xf32, #tpu.memory_space<hbm>>
      %dma_start3A_89 = arith.constant 0 : i32
      %dma_start3A_90 = tpu.memref_slice %arg5[%add3A_86, %dma_start3A_89] : memref<327680x128xf32, #tpu.memory_space<hbm>> -> memref<80x128xf32, #tpu.memory_space<hbm>>
      tpu.enqueue_dma source(%dma_start3A_90 : memref<80x128xf32, #tpu.memory_space<hbm>>) target(%arg14 : memref<80x128xf32, #tpu.memory_space<vmem>>) target_semaphore(%arg21 : memref<!tpu.dma_semaphore, #tpu.memory_space<semaphore_mem>>)
      %dma_wait3A_91 = arith.constant 0 : i32
      %dma_wait3A_92 = arith.constant 0 : i32
      %dma_wait3A_93 = tpu.memref_slice %arg4[%dma_wait3A_91, %dma_wait3A_92] : memref<10000x128xf32, #tpu.memory_space<hbm>> -> memref<10000x128xf32, #tpu.memory_space<hbm>>
      tpu.wait_indirect_dma semaphore(%arg18 : memref<!tpu.dma_semaphore, #tpu.memory_space<semaphore_mem>>) src(%dma_wait3A_93 : memref<10000x128xf32, #tpu.memory_space<hbm>>) dst(%arg11 : memref<80x128xf32, #tpu.memory_space<vmem>>)
      %mul3A_94 = arith.constant 80 : i32
      %mul3A_95 = arith.muli %mul3A_66, %mul3A_94 : i32
      %add3A_96 = arith.addi %mul3A_2, %mul3A_95 : i32
      %dma_wait3A_97 = arith.constant 0 : i32
      %dma_wait3A_98 = tpu.memref_slice %arg5[%add3A_96, %dma_wait3A_97] : memref<327680x128xf32, #tpu.memory_space<hbm>> -> memref<80x128xf32, #tpu.memory_space<hbm>>
      %dma_wait3A_99 = arith.constant 0 : i32
      %dma_wait3A_100 = tpu.memref_slice %arg5[%add3A_96, %dma_wait3A_99] : memref<327680x128xf32, #tpu.memory_space<hbm>> -> memref<80x128xf32, #tpu.memory_space<hbm>>
      tpu.wait_dma2 semaphore(%arg20 : memref<!tpu.dma_semaphore, #tpu.memory_space<semaphore_mem>>) src(%dma_wait3A_100 : memref<80x128xf32, #tpu.memory_space<hbm>>) dst(%arg12 : memref<80x128xf32, #tpu.memory_space<vmem>>)
      %scan3A_101 = arith.constant 0 : i32
      %scan3A_102 = arith.constant 0 : i32
      %scan3A_103 = arith.constant 40 : i32
      %scan3A_104 = arith.addi %scan3A_102, %scan3A_103 : i32
      %scan3A_105 = arith.constant 1 : i32
      %scan3A_106 = scf.for %scan3A_135 = %scan3A_102 to %scan3A_104 step %scan3A_105 iter_args(%scan3A_136 = %scan3A_101) -> (i32)  : i32 {
        %mul3A_137 = arith.constant 2 : i32
        %mul3A_138 = arith.muli %mul3A_137, %scan3A_135 : i32
        %add3A_139 = arith.constant 0 : i32
        %add3A_140 = arith.addi %mul3A_138, %add3A_139 : i32
        %get3A = arith.index_cast %add3A_140 : i32 to index
        %get3A_141 = arith.constant 0 : index
        %get3A_142 = tpu.vector_load %arg11[%get3A, %get3A_141] {strides = array<i32>} : memref<80x128xf32, #tpu.memory_space<vmem>>, vector<1x16xf32>,
        %get3A_143 = vector.shape_cast %get3A_142 : vector<1x16xf32> to vector<16xf32>
        %mul3A_144 = arith.constant 2 : i32
        %mul3A_145 = arith.muli %mul3A_144, %scan3A_135 : i32
        %add3A_146 = arith.constant 0 : i32
        %add3A_147 = arith.addi %mul3A_145, %add3A_146 : i32
        %get3A_148 = arith.index_cast %add3A_147 : i32 to index
        %get3A_149 = arith.constant 0 : index
        %get3A_150 = tpu.vector_load %arg12[%get3A_148, %get3A_149] {strides = array<i32>} : memref<80x128xf32, #tpu.memory_space<vmem>>, vector<1x16xf32>,
        %get3A_151 = vector.shape_cast %get3A_150 : vector<1x16xf32> to vector<16xf32>
        %add3A_152 = arith.addf %get3A_143, %get3A_151 : vector<16xf32>
        %max3A = arith.constant 0.000000e+00 : f32
        %max3A_153 = vector.broadcast %max3A : f32 to vector<16xf32>
        %max3A_154 = arith.maximumf %add3A_152, %max3A_153 : vector<16xf32>
        %mul3A_155 = arith.constant 2 : i32
        %mul3A_156 = arith.muli %mul3A_155, %scan3A_135 : i32
        %add3A_157 = arith.constant 0 : i32
        %add3A_158 = arith.addi %mul3A_156, %add3A_157 : i32
        %swap3A = arith.index_cast %add3A_158 : i32 to index
        %swap3A_159 = arith.constant 0 : index
        %swap3A_160 = tpu.vector_load %arg12[%swap3A, %swap3A_159] {strides = array<i32>} : memref<80x128xf32, #tpu.memory_space<vmem>>, vector<1x16xf32>,
        %swap3A_161 = vector.shape_cast %swap3A_160 : vector<1x16xf32> to vector<16xf32>
        %swap3A_162 = vector.shape_cast %max3A_154 : vector<16xf32> to vector<1x16xf32>
        tpu.vector_store %arg12[%swap3A, %swap3A_159], %swap3A_162 {strides = array<i32>} : memref<80x128xf32, #tpu.memory_space<vmem>>, vector<1x16xf32>,
        %mul3A_163 = arith.constant 2 : i32
        %mul3A_164 = arith.muli %mul3A_163, %scan3A_135 : i32
        %add3A_165 = arith.constant 0 : i32
        %add3A_166 = arith.addi %mul3A_164, %add3A_165 : i32
        %get3A_167 = arith.index_cast %add3A_166 : i32 to index
        %get3A_168 = arith.constant 16 : index
        %get3A_169 = tpu.vector_load %arg11[%get3A_167, %get3A_168] {strides = array<i32>} : memref<80x128xf32, #tpu.memory_space<vmem>>, vector<1x16xf32>,
        %get3A_170 = vector.shape_cast %get3A_169 : vector<1x16xf32> to vector<16xf32>
        %mul3A_171 = arith.constant 2 : i32
        %mul3A_172 = arith.muli %mul3A_171, %scan3A_135 : i32
        %add3A_173 = arith.constant 0 : i32
        %add3A_174 = arith.addi %mul3A_172, %add3A_173 : i32
        %get3A_175 = arith.index_cast %add3A_174 : i32 to index
        %get3A_176 = arith.constant 16 : index
        %get3A_177 = tpu.vector_load %arg12[%get3A_175, %get3A_176] {strides = array<i32>} : memref<80x128xf32, #tpu.memory_space<vmem>>, vector<1x16xf32>,
        %get3A_178 = vector.shape_cast %get3A_177 : vector<1x16xf32> to vector<16xf32>
        %add3A_179 = arith.addf %get3A_170, %get3A_178 : vector<16xf32>
        %max3A_180 = arith.constant 0.000000e+00 : f32
        %max3A_181 = vector.broadcast %max3A_180 : f32 to vector<16xf32>
        %max3A_182 = arith.maximumf %add3A_179, %max3A_181 : vector<16xf32>
        %mul3A_183 = arith.constant 2 : i32
        %mul3A_184 = arith.muli %mul3A_183, %scan3A_135 : i32
        %add3A_185 = arith.constant 0 : i32
        %add3A_186 = arith.addi %mul3A_184, %add3A_185 : i32
        %swap3A_187 = arith.index_cast %add3A_186 : i32 to index
        %swap3A_188 = arith.constant 16 : index
        %swap3A_189 = tpu.vector_load %arg12[%swap3A_187, %swap3A_188] {strides = array<i32>} : memref<80x128xf32, #tpu.memory_space<vmem>>, vector<1x16xf32>,
        %swap3A_190 = vector.shape_cast %swap3A_189 : vector<1x16xf32> to vector<16xf32>
        %swap3A_191 = vector.shape_cast %max3A_182 : vector<16xf32> to vector<1x16xf32>
        tpu.vector_store %arg12[%swap3A_187, %swap3A_188], %swap3A_191 {strides = array<i32>} : memref<80x128xf32, #tpu.memory_space<vmem>>, vector<1x16xf32>,
        %mul3A_192 = arith.constant 2 : i32
        %mul3A_193 = arith.muli %mul3A_192, %scan3A_135 : i32
        %add3A_194 = arith.constant 0 : i32
        %add3A_195 = arith.addi %mul3A_193, %add3A_194 : i32
        %get3A_196 = arith.index_cast %add3A_195 : i32 to index
        %get3A_197 = arith.constant 32 : index
        %get3A_198 = tpu.vector_load %arg11[%get3A_196, %get3A_197] {strides = array<i32>} : memref<80x128xf32, #tpu.memory_space<vmem>>, vector<1x16xf32>,
        %get3A_199 = vector.shape_cast %get3A_198 : vector<1x16xf32> to vector<16xf32>
        %mul3A_200 = arith.constant 2 : i32
        %mul3A_201 = arith.muli %mul3A_200, %scan3A_135 : i32
        %add3A_202 = arith.constant 0 : i32
        %add3A_203 = arith.addi %mul3A_201, %add3A_202 : i32
        %get3A_204 = arith.index_cast %add3A_203 : i32 to index
        %get3A_205 = arith.constant 32 : index
        %get3A_206 = tpu.vector_load %arg12[%get3A_204, %get3A_205] {strides = array<i32>} : memref<80x128xf32, #tpu.memory_space<vmem>>, vector<1x16xf32>,
        %get3A_207 = vector.shape_cast %get3A_206 : vector<1x16xf32> to vector<16xf32>
        %add3A_208 = arith.addf %get3A_199, %get3A_207 : vector<16xf32>
        %max3A_209 = arith.constant 0.000000e+00 : f32
        %max3A_210 = vector.broadcast %max3A_209 : f32 to vector<16xf32>
        %max3A_211 = arith.maximumf %add3A_208, %max3A_210 : vector<16xf32>
        %mul3A_212 = arith.constant 2 : i32
        %mul3A_213 = arith.muli %mul3A_212, %scan3A_135 : i32
        %add3A_214 = arith.constant 0 : i32
        %add3A_215 = arith.addi %mul3A_213, %add3A_214 : i32
        %swap3A_216 = arith.index_cast %add3A_215 : i32 to index
        %swap3A_217 = arith.constant 32 : index
        %swap3A_218 = tpu.vector_load %arg12[%swap3A_216, %swap3A_217] {strides = array<i32>} : memref<80x128xf32, #tpu.memory_space<vmem>>, vector<1x16xf32>,
        %swap3A_219 = vector.shape_cast %swap3A_218 : vector<1x16xf32> to vector<16xf32>
        %swap3A_220 = vector.shape_cast %max3A_211 : vector<16xf32> to vector<1x16xf32>
        tpu.vector_store %arg12[%swap3A_216, %swap3A_217], %swap3A_220 {strides = array<i32>} : memref<80x128xf32, #tpu.memory_space<vmem>>, vector<1x16xf32>,
        %mul3A_221 = arith.constant 2 : i32
        %mul3A_222 = arith.muli %mul3A_221, %scan3A_135 : i32
        %add3A_223 = arith.constant 0 : i32
        %add3A_224 = arith.addi %mul3A_222, %add3A_223 : i32
        %get3A_225 = arith.index_cast %add3A_224 : i32 to index
        %get3A_226 = arith.constant 48 : index
        %get3A_227 = tpu.vector_load %arg11[%get3A_225, %get3A_226] {strides = array<i32>} : memref<80x128xf32, #tpu.memory_space<vmem>>, vector<1x16xf32>,
        %get3A_228 = vector.shape_cast %get3A_227 : vector<1x16xf32> to vector<16xf32>
        %mul3A_229 = arith.constant 2 : i32
        %mul3A_230 = arith.muli %mul3A_229, %scan3A_135 : i32
        %add3A_231 = arith.constant 0 : i32
        %add3A_232 = arith.addi %mul3A_230, %add3A_231 : i32
        %get3A_233 = arith.index_cast %add3A_232 : i32 to index
        %get3A_234 = arith.constant 48 : index
        %get3A_235 = tpu.vector_load %arg12[%get3A_233, %get3A_234] {strides = array<i32>} : memref<80x128xf32, #tpu.memory_space<vmem>>, vector<1x16xf32>,
        %get3A_236 = vector.shape_cast %get3A_235 : vector<1x16xf32> to vector<16xf32>
        %add3A_237 = arith.addf %get3A_228, %get3A_236 : vector<16xf32>
        %max3A_238 = arith.constant 0.000000e+00 : f32
        %max3A_239 = vector.broadcast %max3A_238 : f32 to vector<16xf32>
        %max3A_240 = arith.maximumf %add3A_237, %max3A_239 : vector<16xf32>
        %mul3A_241 = arith.constant 2 : i32
        %mul3A_242 = arith.muli %mul3A_241, %scan3A_135 : i32
        %add3A_243 = arith.constant 0 : i32
        %add3A_244 = arith.addi %mul3A_242, %add3A_243 : i32
        %swap3A_245 = arith.index_cast %add3A_244 : i32 to index
        %swap3A_246 = arith.constant 48 : index
        %swap3A_247 = tpu.vector_load %arg12[%swap3A_245, %swap3A_246] {strides = array<i32>} : memref<80x128xf32, #tpu.memory_space<vmem>>, vector<1x16xf32>,
        %swap3A_248 = vector.shape_cast %swap3A_247 : vector<1x16xf32> to vector<16xf32>
        %swap3A_249 = vector.shape_cast %max3A_240 : vector<16xf32> to vector<1x16xf32>
        tpu.vector_store %arg12[%swap3A_245, %swap3A_246], %swap3A_249 {strides = array<i32>} : memref<80x128xf32, #tpu.memory_space<vmem>>, vector<1x16xf32>,
        %mul3A_250 = arith.constant 2 : i32
        %mul3A_251 = arith.muli %mul3A_250, %scan3A_135 : i32
        %add3A_252 = arith.constant 0 : i32
        %add3A_253 = arith.addi %mul3A_251, %add3A_252 : i32
        %get3A_254 = arith.index_cast %add3A_253 : i32 to index
        %get3A_255 = arith.constant 64 : index
        %get3A_256 = tpu.vector_load %arg11[%get3A_254, %get3A_255] {strides = array<i32>} : memref<80x128xf32, #tpu.memory_space<vmem>>, vector<1x16xf32>,
        %get3A_257 = vector.shape_cast %get3A_256 : vector<1x16xf32> to vector<16xf32>
        %mul3A_258 = arith.constant 2 : i32
        %mul3A_259 = arith.muli %mul3A_258, %scan3A_135 : i32
        %add3A_260 = arith.constant 0 : i32
        %add3A_261 = arith.addi %mul3A_259, %add3A_260 : i32
        %get3A_262 = arith.index_cast %add3A_261 : i32 to index
        %get3A_263 = arith.constant 64 : index
        %get3A_264 = tpu.vector_load %arg12[%get3A_262, %get3A_263] {strides = array<i32>} : memref<80x128xf32, #tpu.memory_space<vmem>>, vector<1x16xf32>,
        %get3A_265 = vector.shape_cast %get3A_264 : vector<1x16xf32> to vector<16xf32>
        %add3A_266 = arith.addf %get3A_257, %get3A_265 : vector<16xf32>
        %max3A_267 = arith.constant 0.000000e+00 : f32
        %max3A_268 = vector.broadcast %max3A_267 : f32 to vector<16xf32>
        %max3A_269 = arith.maximumf %add3A_266, %max3A_268 : vector<16xf32>
        %mul3A_270 = arith.constant 2 : i32
        %mul3A_271 = arith.muli %mul3A_270, %scan3A_135 : i32
        %add3A_272 = arith.constant 0 : i32
        %add3A_273 = arith.addi %mul3A_271, %add3A_272 : i32
        %swap3A_274 = arith.index_cast %add3A_273 : i32 to index
        %swap3A_275 = arith.constant 64 : index
        %swap3A_276 = tpu.vector_load %arg12[%swap3A_274, %swap3A_275] {strides = array<i32>} : memref<80x128xf32, #tpu.memory_space<vmem>>, vector<1x16xf32>,
        %swap3A_277 = vector.shape_cast %swap3A_276 : vector<1x16xf32> to vector<16xf32>
        %swap3A_278 = vector.shape_cast %max3A_269 : vector<16xf32> to vector<1x16xf32>
        tpu.vector_store %arg12[%swap3A_274, %swap3A_275], %swap3A_278 {strides = array<i32>} : memref<80x128xf32, #tpu.memory_space<vmem>>, vector<1x16xf32>,
        %mul3A_279 = arith.constant 2 : i32
        %mul3A_280 = arith.muli %mul3A_279, %scan3A_135 : i32
        %add3A_281 = arith.constant 0 : i32
        %add3A_282 = arith.addi %mul3A_280, %add3A_281 : i32
        %get3A_283 = arith.index_cast %add3A_282 : i32 to index
        %get3A_284 = arith.constant 80 : index
        %get3A_285 = tpu.vector_load %arg11[%get3A_283, %get3A_284] {strides = array<i32>} : memref<80x128xf32, #tpu.memory_space<vmem>>, vector<1x16xf32>,
        %get3A_286 = vector.shape_cast %get3A_285 : vector<1x16xf32> to vector<16xf32>
        %mul3A_287 = arith.constant 2 : i32
        %mul3A_288 = arith.muli %mul3A_287, %scan3A_135 : i32
        %add3A_289 = arith.constant 0 : i32
        %add3A_290 = arith.addi %mul3A_288, %add3A_289 : i32
        %get3A_291 = arith.index_cast %add3A_290 : i32 to index
        %get3A_292 = arith.constant 80 : index
        %get3A_293 = tpu.vector_load %arg12[%get3A_291, %get3A_292] {strides = array<i32>} : memref<80x128xf32, #tpu.memory_space<vmem>>, vector<1x16xf32>,
        %get3A_294 = vector.shape_cast %get3A_293 : vector<1x16xf32> to vector<16xf32>
        %add3A_295 = arith.addf %get3A_286, %get3A_294 : vector<16xf32>
        %max3A_296 = arith.constant 0.000000e+00 : f32
        %max3A_297 = vector.broadcast %max3A_296 : f32 to vector<16xf32>
        %max3A_298 = arith.maximumf %add3A_295, %max3A_297 : vector<16xf32>
        %mul3A_299 = arith.constant 2 : i32
        %mul3A_300 = arith.muli %mul3A_299, %scan3A_135 : i32
        %add3A_301 = arith.constant 0 : i32
        %add3A_302 = arith.addi %mul3A_300, %add3A_301 : i32
        %swap3A_303 = arith.index_cast %add3A_302 : i32 to index
        %swap3A_304 = arith.constant 80 : index
        %swap3A_305 = tpu.vector_load %arg12[%swap3A_303, %swap3A_304] {strides = array<i32>} : memref<80x128xf32, #tpu.memory_space<vmem>>, vector<1x16xf32>,
        %swap3A_306 = vector.shape_cast %swap3A_305 : vector<1x16xf32> to vector<16xf32>
        %swap3A_307 = vector.shape_cast %max3A_298 : vector<16xf32> to vector<1x16xf32>
        tpu.vector_store %arg12[%swap3A_303, %swap3A_304], %swap3A_307 {strides = array<i32>} : memref<80x128xf32, #tpu.memory_space<vmem>>, vector<1x16xf32>,
        %mul3A_308 = arith.constant 2 : i32
        %mul3A_309 = arith.muli %mul3A_308, %scan3A_135 : i32
        %add3A_310 = arith.constant 0 : i32
        %add3A_311 = arith.addi %mul3A_309, %add3A_310 : i32
        %get3A_312 = arith.index_cast %add3A_311 : i32 to index
        %get3A_313 = arith.constant 96 : index
        %get3A_314 = tpu.vector_load %arg11[%get3A_312, %get3A_313] {strides = array<i32>} : memref<80x128xf32, #tpu.memory_space<vmem>>, vector<1x16xf32>,
        %get3A_315 = vector.shape_cast %get3A_314 : vector<1x16xf32> to vector<16xf32>
        %mul3A_316 = arith.constant 2 : i32
        %mul3A_317 = arith.muli %mul3A_316, %scan3A_135 : i32
        %add3A_318 = arith.constant 0 : i32
        %add3A_319 = arith.addi %mul3A_317, %add3A_318 : i32
        %get3A_320 = arith.index_cast %add3A_319 : i32 to index
        %get3A_321 = arith.constant 96 : index
        %get3A_322 = tpu.vector_load %arg12[%get3A_320, %get3A_321] {strides = array<i32>} : memref<80x128xf32, #tpu.memory_space<vmem>>, vector<1x16xf32>,
        %get3A_323 = vector.shape_cast %get3A_322 : vector<1x16xf32> to vector<16xf32>
        %add3A_324 = arith.addf %get3A_315, %get3A_323 : vector<16xf32>
        %max3A_325 = arith.constant 0.000000e+00 : f32
        %max3A_326 = vector.broadcast %max3A_325 : f32 to vector<16xf32>
        %max3A_327 = arith.maximumf %add3A_324, %max3A_326 : vector<16xf32>
        %mul3A_328 = arith.constant 2 : i32
        %mul3A_329 = arith.muli %mul3A_328, %scan3A_135 : i32
        %add3A_330 = arith.constant 0 : i32
        %add3A_331 = arith.addi %mul3A_329, %add3A_330 : i32
        %swap3A_332 = arith.index_cast %add3A_331 : i32 to index
        %swap3A_333 = arith.constant 96 : index
        %swap3A_334 = tpu.vector_load %arg12[%swap3A_332, %swap3A_333] {strides = array<i32>} : memref<80x128xf32, #tpu.memory_space<vmem>>, vector<1x16xf32>,
        %swap3A_335 = vector.shape_cast %swap3A_334 : vector<1x16xf32> to vector<16xf32>
        %swap3A_336 = vector.shape_cast %max3A_327 : vector<16xf32> to vector<1x16xf32>
        tpu.vector_store %arg12[%swap3A_332, %swap3A_333], %swap3A_336 {strides = array<i32>} : memref<80x128xf32, #tpu.memory_space<vmem>>, vector<1x16xf32>,
        %mul3A_337 = arith.constant 2 : i32
        %mul3A_338 = arith.muli %mul3A_337, %scan3A_135 : i32
        %add3A_339 = arith.constant 0 : i32
        %add3A_340 = arith.addi %mul3A_338, %add3A_339 : i32
        %get3A_341 = arith.index_cast %add3A_340 : i32 to index
        %get3A_342 = arith.constant 112 : index
        %get3A_343 = tpu.vector_load %arg11[%get3A_341, %get3A_342] {strides = array<i32>} : memref<80x128xf32, #tpu.memory_space<vmem>>, vector<1x16xf32>,
        %get3A_344 = vector.shape_cast %get3A_343 : vector<1x16xf32> to vector<16xf32>
        %mul3A_345 = arith.constant 2 : i32
        %mul3A_346 = arith.muli %mul3A_345, %scan3A_135 : i32
        %add3A_347 = arith.constant 0 : i32
        %add3A_348 = arith.addi %mul3A_346, %add3A_347 : i32
        %get3A_349 = arith.index_cast %add3A_348 : i32 to index
        %get3A_350 = arith.constant 112 : index
        %get3A_351 = tpu.vector_load %arg12[%get3A_349, %get3A_350] {strides = array<i32>} : memref<80x128xf32, #tpu.memory_space<vmem>>, vector<1x16xf32>,
        %get3A_352 = vector.shape_cast %get3A_351 : vector<1x16xf32> to vector<16xf32>
        %add3A_353 = arith.addf %get3A_344, %get3A_352 : vector<16xf32>
        %max3A_354 = arith.constant 0.000000e+00 : f32
        %max3A_355 = vector.broadcast %max3A_354 : f32 to vector<16xf32>
        %max3A_356 = arith.maximumf %add3A_353, %max3A_355 : vector<16xf32>
        %mul3A_357 = arith.constant 2 : i32
        %mul3A_358 = arith.muli %mul3A_357, %scan3A_135 : i32
        %add3A_359 = arith.constant 0 : i32
        %add3A_360 = arith.addi %mul3A_358, %add3A_359 : i32
        %swap3A_361 = arith.index_cast %add3A_360 : i32 to index
        %swap3A_362 = arith.constant 112 : index
        %swap3A_363 = tpu.vector_load %arg12[%swap3A_361, %swap3A_362] {strides = array<i32>} : memref<80x128xf32, #tpu.memory_space<vmem>>, vector<1x16xf32>,
        %swap3A_364 = vector.shape_cast %swap3A_363 : vector<1x16xf32> to vector<16xf32>
        %swap3A_365 = vector.shape_cast %max3A_356 : vector<16xf32> to vector<1x16xf32>
        tpu.vector_store %arg12[%swap3A_361, %swap3A_362], %swap3A_365 {strides = array<i32>} : memref<80x128xf32, #tpu.memory_space<vmem>>, vector<1x16xf32>,
        %mul3A_366 = arith.constant 2 : i32
        %mul3A_367 = arith.muli %mul3A_366, %scan3A_135 : i32
        %add3A_368 = arith.constant 1 : i32
        %add3A_369 = arith.addi %mul3A_367, %add3A_368 : i32
        %get3A_370 = arith.index_cast %add3A_369 : i32 to index
        %get3A_371 = arith.constant 0 : index
        %get3A_372 = tpu.vector_load %arg11[%get3A_370, %get3A_371] {strides = array<i32>} : memref<80x128xf32, #tpu.memory_space<vmem>>, vector<1x16xf32>,
        %get3A_373 = vector.shape_cast %get3A_372 : vector<1x16xf32> to vector<16xf32>
        %mul3A_374 = arith.constant 2 : i32
        %mul3A_375 = arith.muli %mul3A_374, %scan3A_135 : i32
        %add3A_376 = arith.constant 1 : i32
        %add3A_377 = arith.addi %mul3A_375, %add3A_376 : i32
        %get3A_378 = arith.index_cast %add3A_377 : i32 to index
        %get3A_379 = arith.constant 0 : index
        %get3A_380 = tpu.vector_load %arg12[%get3A_378, %get3A_379] {strides = array<i32>} : memref<80x128xf32, #tpu.memory_space<vmem>>, vector<1x16xf32>,
        %get3A_381 = vector.shape_cast %get3A_380 : vector<1x16xf32> to vector<16xf32>
        %add3A_382 = arith.addf %get3A_373, %get3A_381 : vector<16xf32>
        %max3A_383 = arith.constant 0.000000e+00 : f32
        %max3A_384 = vector.broadcast %max3A_383 : f32 to vector<16xf32>
        %max3A_385 = arith.maximumf %add3A_382, %max3A_384 : vector<16xf32>
        %mul3A_386 = arith.constant 2 : i32
        %mul3A_387 = arith.muli %mul3A_386, %scan3A_135 : i32
        %add3A_388 = arith.constant 1 : i32
        %add3A_389 = arith.addi %mul3A_387, %add3A_388 : i32
        %swap3A_390 = arith.index_cast %add3A_389 : i32 to index
        %swap3A_391 = arith.constant 0 : index
        %swap3A_392 = tpu.vector_load %arg12[%swap3A_390, %swap3A_391] {strides = array<i32>} : memref<80x128xf32, #tpu.memory_space<vmem>>, vector<1x16xf32>,
        %swap3A_393 = vector.shape_cast %swap3A_392 : vector<1x16xf32> to vector<16xf32>
        %swap3A_394 = vector.shape_cast %max3A_385 : vector<16xf32> to vector<1x16xf32>
        tpu.vector_store %arg12[%swap3A_390, %swap3A_391], %swap3A_394 {strides = array<i32>} : memref<80x128xf32, #tpu.memory_space<vmem>>, vector<1x16xf32>,
        %mul3A_395 = arith.constant 2 : i32
        %mul3A_396 = arith.muli %mul3A_395, %scan3A_135 : i32
        %add3A_397 = arith.constant 1 : i32
        %add3A_398 = arith.addi %mul3A_396, %add3A_397 : i32
        %get3A_399 = arith.index_cast %add3A_398 : i32 to index
        %get3A_400 = arith.constant 16 : index
        %get3A_401 = tpu.vector_load %arg11[%get3A_399, %get3A_400] {strides = array<i32>} : memref<80x128xf32, #tpu.memory_space<vmem>>, vector<1x16xf32>,
        %get3A_402 = vector.shape_cast %get3A_401 : vector<1x16xf32> to vector<16xf32>
        %mul3A_403 = arith.constant 2 : i32
        %mul3A_404 = arith.muli %mul3A_403, %scan3A_135 : i32
        %add3A_405 = arith.constant 1 : i32
        %add3A_406 = arith.addi %mul3A_404, %add3A_405 : i32
        %get3A_407 = arith.index_cast %add3A_406 : i32 to index
        %get3A_408 = arith.constant 16 : index
        %get3A_409 = tpu.vector_load %arg12[%get3A_407, %get3A_408] {strides = array<i32>} : memref<80x128xf32, #tpu.memory_space<vmem>>, vector<1x16xf32>,
        %get3A_410 = vector.shape_cast %get3A_409 : vector<1x16xf32> to vector<16xf32>
        %add3A_411 = arith.addf %get3A_402, %get3A_410 : vector<16xf32>
        %max3A_412 = arith.constant 0.000000e+00 : f32
        %max3A_413 = vector.broadcast %max3A_412 : f32 to vector<16xf32>
        %max3A_414 = arith.maximumf %add3A_411, %max3A_413 : vector<16xf32>
        %mul3A_415 = arith.constant 2 : i32
        %mul3A_416 = arith.muli %mul3A_415, %scan3A_135 : i32
        %add3A_417 = arith.constant 1 : i32
        %add3A_418 = arith.addi %mul3A_416, %add3A_417 : i32
        %swap3A_419 = arith.index_cast %add3A_418 : i32 to index
        %swap3A_420 = arith.constant 16 : index
        %swap3A_421 = tpu.vector_load %arg12[%swap3A_419, %swap3A_420] {strides = array<i32>} : memref<80x128xf32, #tpu.memory_space<vmem>>, vector<1x16xf32>,
        %swap3A_422 = vector.shape_cast %swap3A_421 : vector<1x16xf32> to vector<16xf32>
        %swap3A_423 = vector.shape_cast %max3A_414 : vector<16xf32> to vector<1x16xf32>
        tpu.vector_store %arg12[%swap3A_419, %swap3A_420], %swap3A_423 {strides = array<i32>} : memref<80x128xf32, #tpu.memory_space<vmem>>, vector<1x16xf32>,
        %mul3A_424 = arith.constant 2 : i32
        %mul3A_425 = arith.muli %mul3A_424, %scan3A_135 : i32
        %add3A_426 = arith.constant 1 : i32
        %add3A_427 = arith.addi %mul3A_425, %add3A_426 : i32
        %get3A_428 = arith.index_cast %add3A_427 : i32 to index
        %get3A_429 = arith.constant 32 : index
        %get3A_430 = tpu.vector_load %arg11[%get3A_428, %get3A_429] {strides = array<i32>} : memref<80x128xf32, #tpu.memory_space<vmem>>, vector<1x16xf32>,
        %get3A_431 = vector.shape_cast %get3A_430 : vector<1x16xf32> to vector<16xf32>
        %mul3A_432 = arith.constant 2 : i32
        %mul3A_433 = arith.muli %mul3A_432, %scan3A_135 : i32
        %add3A_434 = arith.constant 1 : i32
        %add3A_435 = arith.addi %mul3A_433, %add3A_434 : i32
        %get3A_436 = arith.index_cast %add3A_435 : i32 to index
        %get3A_437 = arith.constant 32 : index
        %get3A_438 = tpu.vector_load %arg12[%get3A_436, %get3A_437] {strides = array<i32>} : memref<80x128xf32, #tpu.memory_space<vmem>>, vector<1x16xf32>,
        %get3A_439 = vector.shape_cast %get3A_438 : vector<1x16xf32> to vector<16xf32>
        %add3A_440 = arith.addf %get3A_431, %get3A_439 : vector<16xf32>
        %max3A_441 = arith.constant 0.000000e+00 : f32
        %max3A_442 = vector.broadcast %max3A_441 : f32 to vector<16xf32>
        %max3A_443 = arith.maximumf %add3A_440, %max3A_442 : vector<16xf32>
        %mul3A_444 = arith.constant 2 : i32
        %mul3A_445 = arith.muli %mul3A_444, %scan3A_135 : i32
        %add3A_446 = arith.constant 1 : i32
        %add3A_447 = arith.addi %mul3A_445, %add3A_446 : i32
        %swap3A_448 = arith.index_cast %add3A_447 : i32 to index
        %swap3A_449 = arith.constant 32 : index
        %swap3A_450 = tpu.vector_load %arg12[%swap3A_448, %swap3A_449] {strides = array<i32>} : memref<80x128xf32, #tpu.memory_space<vmem>>, vector<1x16xf32>,
        %swap3A_451 = vector.shape_cast %swap3A_450 : vector<1x16xf32> to vector<16xf32>
        %swap3A_452 = vector.shape_cast %max3A_443 : vector<16xf32> to vector<1x16xf32>
        tpu.vector_store %arg12[%swap3A_448, %swap3A_449], %swap3A_452 {strides = array<i32>} : memref<80x128xf32, #tpu.memory_space<vmem>>, vector<1x16xf32>,
        %mul3A_453 = arith.constant 2 : i32
        %mul3A_454 = arith.muli %mul3A_453, %scan3A_135 : i32
        %add3A_455 = arith.constant 1 : i32
        %add3A_456 = arith.addi %mul3A_454, %add3A_455 : i32
        %get3A_457 = arith.index_cast %add3A_456 : i32 to index
        %get3A_458 = arith.constant 48 : index
        %get3A_459 = tpu.vector_load %arg11[%get3A_457, %get3A_458] {strides = array<i32>} : memref<80x128xf32, #tpu.memory_space<vmem>>, vector<1x16xf32>,
        %get3A_460 = vector.shape_cast %get3A_459 : vector<1x16xf32> to vector<16xf32>
        %mul3A_461 = arith.constant 2 : i32
        %mul3A_462 = arith.muli %mul3A_461, %scan3A_135 : i32
        %add3A_463 = arith.constant 1 : i32
        %add3A_464 = arith.addi %mul3A_462, %add3A_463 : i32
        %get3A_465 = arith.index_cast %add3A_464 : i32 to index
        %get3A_466 = arith.constant 48 : index
        %get3A_467 = tpu.vector_load %arg12[%get3A_465, %get3A_466] {strides = array<i32>} : memref<80x128xf32, #tpu.memory_space<vmem>>, vector<1x16xf32>,
        %get3A_468 = vector.shape_cast %get3A_467 : vector<1x16xf32> to vector<16xf32>
        %add3A_469 = arith.addf %get3A_460, %get3A_468 : vector<16xf32>
        %max3A_470 = arith.constant 0.000000e+00 : f32
        %max3A_471 = vector.broadcast %max3A_470 : f32 to vector<16xf32>
        %max3A_472 = arith.maximumf %add3A_469, %max3A_471 : vector<16xf32>
        %mul3A_473 = arith.constant 2 : i32
        %mul3A_474 = arith.muli %mul3A_473, %scan3A_135 : i32
        %add3A_475 = arith.constant 1 : i32
        %add3A_476 = arith.addi %mul3A_474, %add3A_475 : i32
        %swap3A_477 = arith.index_cast %add3A_476 : i32 to index
        %swap3A_478 = arith.constant 48 : index
        %swap3A_479 = tpu.vector_load %arg12[%swap3A_477, %swap3A_478] {strides = array<i32>} : memref<80x128xf32, #tpu.memory_space<vmem>>, vector<1x16xf32>,
        %swap3A_480 = vector.shape_cast %swap3A_479 : vector<1x16xf32> to vector<16xf32>
        %swap3A_481 = vector.shape_cast %max3A_472 : vector<16xf32> to vector<1x16xf32>
        tpu.vector_store %arg12[%swap3A_477, %swap3A_478], %swap3A_481 {strides = array<i32>} : memref<80x128xf32, #tpu.memory_space<vmem>>, vector<1x16xf32>,
        %mul3A_482 = arith.constant 2 : i32
        %mul3A_483 = arith.muli %mul3A_482, %scan3A_135 : i32
        %add3A_484 = arith.constant 1 : i32
        %add3A_485 = arith.addi %mul3A_483, %add3A_484 : i32
        %get3A_486 = arith.index_cast %add3A_485 : i32 to index
        %get3A_487 = arith.constant 64 : index
        %get3A_488 = tpu.vector_load %arg11[%get3A_486, %get3A_487] {strides = array<i32>} : memref<80x128xf32, #tpu.memory_space<vmem>>, vector<1x16xf32>,
        %get3A_489 = vector.shape_cast %get3A_488 : vector<1x16xf32> to vector<16xf32>
        %mul3A_490 = arith.constant 2 : i32
        %mul3A_491 = arith.muli %mul3A_490, %scan3A_135 : i32
        %add3A_492 = arith.constant 1 : i32
        %add3A_493 = arith.addi %mul3A_491, %add3A_492 : i32
        %get3A_494 = arith.index_cast %add3A_493 : i32 to index
        %get3A_495 = arith.constant 64 : index
        %get3A_496 = tpu.vector_load %arg12[%get3A_494, %get3A_495] {strides = array<i32>} : memref<80x128xf32, #tpu.memory_space<vmem>>, vector<1x16xf32>,
        %get3A_497 = vector.shape_cast %get3A_496 : vector<1x16xf32> to vector<16xf32>
        %add3A_498 = arith.addf %get3A_489, %get3A_497 : vector<16xf32>
        %max3A_499 = arith.constant 0.000000e+00 : f32
        %max3A_500 = vector.broadcast %max3A_499 : f32 to vector<16xf32>
        %max3A_501 = arith.maximumf %add3A_498, %max3A_500 : vector<16xf32>
        %mul3A_502 = arith.constant 2 : i32
        %mul3A_503 = arith.muli %mul3A_502, %scan3A_135 : i32
        %add3A_504 = arith.constant 1 : i32
        %add3A_505 = arith.addi %mul3A_503, %add3A_504 : i32
        %swap3A_506 = arith.index_cast %add3A_505 : i32 to index
        %swap3A_507 = arith.constant 64 : index
        %swap3A_508 = tpu.vector_load %arg12[%swap3A_506, %swap3A_507] {strides = array<i32>} : memref<80x128xf32, #tpu.memory_space<vmem>>, vector<1x16xf32>,
        %swap3A_509 = vector.shape_cast %swap3A_508 : vector<1x16xf32> to vector<16xf32>
        %swap3A_510 = vector.shape_cast %max3A_501 : vector<16xf32> to vector<1x16xf32>
        tpu.vector_store %arg12[%swap3A_506, %swap3A_507], %swap3A_510 {strides = array<i32>} : memref<80x128xf32, #tpu.memory_space<vmem>>, vector<1x16xf32>,
        %mul3A_511 = arith.constant 2 : i32
        %mul3A_512 = arith.muli %mul3A_511, %scan3A_135 : i32
        %add3A_513 = arith.constant 1 : i32
        %add3A_514 = arith.addi %mul3A_512, %add3A_513 : i32
        %get3A_515 = arith.index_cast %add3A_514 : i32 to index
        %get3A_516 = arith.constant 80 : index
        %get3A_517 = tpu.vector_load %arg11[%get3A_515, %get3A_516] {strides = array<i32>} : memref<80x128xf32, #tpu.memory_space<vmem>>, vector<1x16xf32>,
        %get3A_518 = vector.shape_cast %get3A_517 : vector<1x16xf32> to vector<16xf32>
        %mul3A_519 = arith.constant 2 : i32
        %mul3A_520 = arith.muli %mul3A_519, %scan3A_135 : i32
        %add3A_521 = arith.constant 1 : i32
        %add3A_522 = arith.addi %mul3A_520, %add3A_521 : i32
        %get3A_523 = arith.index_cast %add3A_522 : i32 to index
        %get3A_524 = arith.constant 80 : index
        %get3A_525 = tpu.vector_load %arg12[%get3A_523, %get3A_524] {strides = array<i32>} : memref<80x128xf32, #tpu.memory_space<vmem>>, vector<1x16xf32>,
        %get3A_526 = vector.shape_cast %get3A_525 : vector<1x16xf32> to vector<16xf32>
        %add3A_527 = arith.addf %get3A_518, %get3A_526 : vector<16xf32>
        %max3A_528 = arith.constant 0.000000e+00 : f32
        %max3A_529 = vector.broadcast %max3A_528 : f32 to vector<16xf32>
        %max3A_530 = arith.maximumf %add3A_527, %max3A_529 : vector<16xf32>
        %mul3A_531 = arith.constant 2 : i32
        %mul3A_532 = arith.muli %mul3A_531, %scan3A_135 : i32
        %add3A_533 = arith.constant 1 : i32
        %add3A_534 = arith.addi %mul3A_532, %add3A_533 : i32
        %swap3A_535 = arith.index_cast %add3A_534 : i32 to index
        %swap3A_536 = arith.constant 80 : index
        %swap3A_537 = tpu.vector_load %arg12[%swap3A_535, %swap3A_536] {strides = array<i32>} : memref<80x128xf32, #tpu.memory_space<vmem>>, vector<1x16xf32>,
        %swap3A_538 = vector.shape_cast %swap3A_537 : vector<1x16xf32> to vector<16xf32>
        %swap3A_539 = vector.shape_cast %max3A_530 : vector<16xf32> to vector<1x16xf32>
        tpu.vector_store %arg12[%swap3A_535, %swap3A_536], %swap3A_539 {strides = array<i32>} : memref<80x128xf32, #tpu.memory_space<vmem>>, vector<1x16xf32>,
        %mul3A_540 = arith.constant 2 : i32
        %mul3A_541 = arith.muli %mul3A_540, %scan3A_135 : i32
        %add3A_542 = arith.constant 1 : i32
        %add3A_543 = arith.addi %mul3A_541, %add3A_542 : i32
        %get3A_544 = arith.index_cast %add3A_543 : i32 to index
        %get3A_545 = arith.constant 96 : index
        %get3A_546 = tpu.vector_load %arg11[%get3A_544, %get3A_545] {strides = array<i32>} : memref<80x128xf32, #tpu.memory_space<vmem>>, vector<1x16xf32>,
        %get3A_547 = vector.shape_cast %get3A_546 : vector<1x16xf32> to vector<16xf32>
        %mul3A_548 = arith.constant 2 : i32
        %mul3A_549 = arith.muli %mul3A_548, %scan3A_135 : i32
        %add3A_550 = arith.constant 1 : i32
        %add3A_551 = arith.addi %mul3A_549, %add3A_550 : i32
        %get3A_552 = arith.index_cast %add3A_551 : i32 to index
        %get3A_553 = arith.constant 96 : index
        %get3A_554 = tpu.vector_load %arg12[%get3A_552, %get3A_553] {strides = array<i32>} : memref<80x128xf32, #tpu.memory_space<vmem>>, vector<1x16xf32>,
        %get3A_555 = vector.shape_cast %get3A_554 : vector<1x16xf32> to vector<16xf32>
        %add3A_556 = arith.addf %get3A_547, %get3A_555 : vector<16xf32>
        %max3A_557 = arith.constant 0.000000e+00 : f32
        %max3A_558 = vector.broadcast %max3A_557 : f32 to vector<16xf32>
        %max3A_559 = arith.maximumf %add3A_556, %max3A_558 : vector<16xf32>
        %mul3A_560 = arith.constant 2 : i32
        %mul3A_561 = arith.muli %mul3A_560, %scan3A_135 : i32
        %add3A_562 = arith.constant 1 : i32
        %add3A_563 = arith.addi %mul3A_561, %add3A_562 : i32
        %swap3A_564 = arith.index_cast %add3A_563 : i32 to index
        %swap3A_565 = arith.constant 96 : index
        %swap3A_566 = tpu.vector_load %arg12[%swap3A_564, %swap3A_565] {strides = array<i32>} : memref<80x128xf32, #tpu.memory_space<vmem>>, vector<1x16xf32>,
        %swap3A_567 = vector.shape_cast %swap3A_566 : vector<1x16xf32> to vector<16xf32>
        %swap3A_568 = vector.shape_cast %max3A_559 : vector<16xf32> to vector<1x16xf32>
        tpu.vector_store %arg12[%swap3A_564, %swap3A_565], %swap3A_568 {strides = array<i32>} : memref<80x128xf32, #tpu.memory_space<vmem>>, vector<1x16xf32>,
        %mul3A_569 = arith.constant 2 : i32
        %mul3A_570 = arith.muli %mul3A_569, %scan3A_135 : i32
        %add3A_571 = arith.constant 1 : i32
        %add3A_572 = arith.addi %mul3A_570, %add3A_571 : i32
        %get3A_573 = arith.index_cast %add3A_572 : i32 to index
        %get3A_574 = arith.constant 112 : index
        %get3A_575 = tpu.vector_load %arg11[%get3A_573, %get3A_574] {strides = array<i32>} : memref<80x128xf32, #tpu.memory_space<vmem>>, vector<1x16xf32>,
        %get3A_576 = vector.shape_cast %get3A_575 : vector<1x16xf32> to vector<16xf32>
        %mul3A_577 = arith.constant 2 : i32
        %mul3A_578 = arith.muli %mul3A_577, %scan3A_135 : i32
        %add3A_579 = arith.constant 1 : i32
        %add3A_580 = arith.addi %mul3A_578, %add3A_579 : i32
        %get3A_581 = arith.index_cast %add3A_580 : i32 to index
        %get3A_582 = arith.constant 112 : index
        %get3A_583 = tpu.vector_load %arg12[%get3A_581, %get3A_582] {strides = array<i32>} : memref<80x128xf32, #tpu.memory_space<vmem>>, vector<1x16xf32>,
        %get3A_584 = vector.shape_cast %get3A_583 : vector<1x16xf32> to vector<16xf32>
        %add3A_585 = arith.addf %get3A_576, %get3A_584 : vector<16xf32>
        %max3A_586 = arith.constant 0.000000e+00 : f32
        %max3A_587 = vector.broadcast %max3A_586 : f32 to vector<16xf32>
        %max3A_588 = arith.maximumf %add3A_585, %max3A_587 : vector<16xf32>
        %mul3A_589 = arith.constant 2 : i32
        %mul3A_590 = arith.muli %mul3A_589, %scan3A_135 : i32
        %add3A_591 = arith.constant 1 : i32
        %add3A_592 = arith.addi %mul3A_590, %add3A_591 : i32
        %swap3A_593 = arith.index_cast %add3A_592 : i32 to index
        %swap3A_594 = arith.constant 112 : index
        %swap3A_595 = tpu.vector_load %arg12[%swap3A_593, %swap3A_594] {strides = array<i32>} : memref<80x128xf32, #tpu.memory_space<vmem>>, vector<1x16xf32>,
        %swap3A_596 = vector.shape_cast %swap3A_595 : vector<1x16xf32> to vector<16xf32>
        %swap3A_597 = vector.shape_cast %max3A_588 : vector<16xf32> to vector<1x16xf32>
        tpu.vector_store %arg12[%swap3A_593, %swap3A_594], %swap3A_597 {strides = array<i32>} : memref<80x128xf32, #tpu.memory_space<vmem>>, vector<1x16xf32>,
        %scan3A_598 = arith.constant 0 : i32
        scf.yield %scan3A_598 : i32
      }
      %scan3A_107 = arith.constant 40 : i32
      "tpu.region"() ({
        %run_scoped3A = tpu.sem_alloc : memref<!tpu.dma_semaphore, #tpu.memory_space<semaphore_mem>>
        %dma_start3A_135 = arith.constant 0 : i32
        %dma_start3A_136 = arith.constant 0 : i32
        %dma_start3A_137 = tpu.memref_slice %arg15[%dma_start3A_135, %dma_start3A_136] : memref<10240x128xf32, #tpu.memory_space<vmem_shared>> -> memref<10240x128xf32, #tpu.memory_space<vmem_shared>>
        tpu.enqueue_indirect_dma source(%arg12 : memref<80x128xf32, #tpu.memory_space<vmem>>) target(%dma_start3A_137 : memref<10240x128xf32, #tpu.memory_space<vmem_shared>>) offsets(%arg8 : memref<80xi32, #tpu.memory_space<vmem>>) semaphore(%run_scoped3A : memref<!tpu.dma_semaphore, #tpu.memory_space<semaphore_mem>>) {add = true}
        %dma_wait3A_138 = arith.constant 0 : i32
        %dma_wait3A_139 = arith.constant 0 : i32
        %dma_wait3A_140 = tpu.memref_slice %arg15[%dma_wait3A_138, %dma_wait3A_139] : memref<10240x128xf32, #tpu.memory_space<vmem_shared>> -> memref<10240x128xf32, #tpu.memory_space<vmem_shared>>
        tpu.wait_indirect_dma semaphore(%run_scoped3A : memref<!tpu.dma_semaphore, #tpu.memory_space<semaphore_mem>>) src(%arg12 : memref<80x128xf32, #tpu.memory_space<vmem>>) dst(%dma_wait3A_140 : memref<10240x128xf32, #tpu.memory_space<vmem_shared>>)
        tpu.yield
      }) : () -> ()
      %lt3A = arith.constant 63 : i32
      %lt3A_108 = arith.cmpi slt, %scan3A_63, %lt3A : i32
      %convert_element_type3A = arith.extui %lt3A_108 : i1 to i32
      %cond3A = arith.constant 0 : i32
      %cond3A_109 = arith.cmpi ne, %convert_element_type3A, %cond3A : i32
      scf.if %cond3A_109 {
        %add3A_135 = arith.constant 2 : i32
        %add3A_136 = arith.addi %mul3A_66, %add3A_135 : i32
        %mul3A_137 = arith.constant 80 : i32
        %mul3A_138 = arith.muli %add3A_136, %mul3A_137 : i32
        %add3A_139 = arith.addi %mul3A_2, %mul3A_138 : i32
        %dma_start3A_140 = tpu.memref_slice %arg2[%add3A_139] : memref<327680xi32, #tpu.memory_space<hbm>> -> memref<80xi32, #tpu.memory_space<hbm>>
        %dma_start3A_141 = tpu.memref_slice %arg2[%add3A_139] : memref<327680xi32, #tpu.memory_space<hbm>> -> memref<80xi32, #tpu.memory_space<hbm>>
        tpu.enqueue_dma source(%dma_start3A_141 : memref<80xi32, #tpu.memory_space<hbm>>) target(%arg7 : memref<80xi32, #tpu.memory_space<vmem>>) target_semaphore(%arg16 : memref<!tpu.dma_semaphore, #tpu.memory_space<semaphore_mem>>)
        %mul3A_142 = arith.constant 80 : i32
        %mul3A_143 = arith.muli %add3A_136, %mul3A_142 : i32
        %add3A_144 = arith.addi %mul3A_2, %mul3A_143 : i32
        %dma_start3A_145 = tpu.memref_slice %arg3[%add3A_144] : memref<327680xi32, #tpu.memory_space<hbm>> -> memref<80xi32, #tpu.memory_space<hbm>>
        %dma_start3A_146 = tpu.memref_slice %arg3[%add3A_144] : memref<327680xi32, #tpu.memory_space<hbm>> -> memref<80xi32, #tpu.memory_space<hbm>>
        tpu.enqueue_dma source(%dma_start3A_146 : memref<80xi32, #tpu.memory_space<hbm>>) target(%arg8 : memref<80xi32, #tpu.memory_space<vmem>>) target_semaphore(%arg16 : memref<!tpu.dma_semaphore, #tpu.memory_space<semaphore_mem>>)
      } else {
      }
      %add3A_110 = arith.constant 1 : i32
      %add3A_111 = arith.addi %mul3A_66, %add3A_110 : i32
      %dma_wait3A_112 = arith.constant 0 : i32
      %dma_wait3A_113 = arith.constant 0 : i32
      %dma_wait3A_114 = tpu.memref_slice %arg4[%dma_wait3A_112, %dma_wait3A_113] : memref<10000x128xf32, #tpu.memory_space<hbm>> -> memref<10000x128xf32, #tpu.memory_space<hbm>>
      tpu.wait_indirect_dma semaphore(%arg19 : memref<!tpu.dma_semaphore, #tpu.memory_space<semaphore_mem>>) src(%dma_wait3A_114 : memref<10000x128xf32, #tpu.memory_space<hbm>>) dst(%arg13 : memref<80x128xf32, #tpu.memory_space<vmem>>)
      %mul3A_115 = arith.constant 80 : i32
      %mul3A_116 = arith.muli %add3A_111, %mul3A_115 : i32
      %add3A_117 = arith.addi %mul3A_2, %mul3A_116 : i32
      %dma_wait3A_118 = arith.constant 0 : i32
      %dma_wait3A_119 = tpu.memref_slice %arg5[%add3A_117, %dma_wait3A_118] : memref<327680x128xf32, #tpu.memory_space<hbm>> -> memref<80x128xf32, #tpu.memory_space<hbm>>
      %dma_wait3A_120 = arith.constant 0 : i32
      %dma_wait3A_121 = tpu.memref_slice %arg5[%add3A_117, %dma_wait3A_120] : memref<327680x128xf32, #tpu.memory_space<hbm>> -> memref<80x128xf32, #tpu.memory_space<hbm>>
      tpu.wait_dma2 semaphore(%arg21 : memref<!tpu.dma_semaphore, #tpu.memory_space<semaphore_mem>>) src(%dma_wait3A_121 : memref<80x128xf32, #tpu.memory_space<hbm>>) dst(%arg14 : memref<80x128xf32, #tpu.memory_space<vmem>>)
      %scan3A_122 = arith.constant 0 : i32
      %scan3A_123 = arith.constant 0 : i32
      %scan3A_124 = arith.constant 40 : i32
      %scan3A_125 = arith.addi %scan3A_123, %scan3A_124 : i32
      %scan3A_126 = arith.constant 1 : i32
      %scan3A_127 = scf.for %scan3A_135 = %scan3A_123 to %scan3A_125 step %scan3A_126 iter_args(%scan3A_136 = %scan3A_122) -> (i32)  : i32 {
        %mul3A_137 = arith.constant 2 : i32
        %mul3A_138 = arith.muli %mul3A_137, %scan3A_135 : i32
        %add3A_139 = arith.constant 0 : i32
        %add3A_140 = arith.addi %mul3A_138, %add3A_139 : i32
        %get3A = arith.index_cast %add3A_140 : i32 to index
        %get3A_141 = arith.constant 0 : index
        %get3A_142 = tpu.vector_load %arg13[%get3A, %get3A_141] {strides = array<i32>} : memref<80x128xf32, #tpu.memory_space<vmem>>, vector<1x16xf32>,
        %get3A_143 = vector.shape_cast %get3A_142 : vector<1x16xf32> to vector<16xf32>
        %mul3A_144 = arith.constant 2 : i32
        %mul3A_145 = arith.muli %mul3A_144, %scan3A_135 : i32
        %add3A_146 = arith.constant 0 : i32
        %add3A_147 = arith.addi %mul3A_145, %add3A_146 : i32
        %get3A_148 = arith.index_cast %add3A_147 : i32 to index
        %get3A_149 = arith.constant 0 : index
        %get3A_150 = tpu.vector_load %arg14[%get3A_148, %get3A_149] {strides = array<i32>} : memref<80x128xf32, #tpu.memory_space<vmem>>, vector<1x16xf32>,
        %get3A_151 = vector.shape_cast %get3A_150 : vector<1x16xf32> to vector<16xf32>
        %add3A_152 = arith.addf %get3A_143, %get3A_151 : vector<16xf32>
        %max3A = arith.constant 0.000000e+00 : f32
        %max3A_153 = vector.broadcast %max3A : f32 to vector<16xf32>
        %max3A_154 = arith.maximumf %add3A_152, %max3A_153 : vector<16xf32>
        %mul3A_155 = arith.constant 2 : i32
        %mul3A_156 = arith.muli %mul3A_155, %scan3A_135 : i32
        %add3A_157 = arith.constant 0 : i32
        %add3A_158 = arith.addi %mul3A_156, %add3A_157 : i32
        %swap3A = arith.index_cast %add3A_158 : i32 to index
        %swap3A_159 = arith.constant 0 : index
        %swap3A_160 = tpu.vector_load %arg14[%swap3A, %swap3A_159] {strides = array<i32>} : memref<80x128xf32, #tpu.memory_space<vmem>>, vector<1x16xf32>,
        %swap3A_161 = vector.shape_cast %swap3A_160 : vector<1x16xf32> to vector<16xf32>
        %swap3A_162 = vector.shape_cast %max3A_154 : vector<16xf32> to vector<1x16xf32>
        tpu.vector_store %arg14[%swap3A, %swap3A_159], %swap3A_162 {strides = array<i32>} : memref<80x128xf32, #tpu.memory_space<vmem>>, vector<1x16xf32>,
        %mul3A_163 = arith.constant 2 : i32
        %mul3A_164 = arith.muli %mul3A_163, %scan3A_135 : i32
        %add3A_165 = arith.constant 0 : i32
        %add3A_166 = arith.addi %mul3A_164, %add3A_165 : i32
        %get3A_167 = arith.index_cast %add3A_166 : i32 to index
        %get3A_168 = arith.constant 16 : index
        %get3A_169 = tpu.vector_load %arg13[%get3A_167, %get3A_168] {strides = array<i32>} : memref<80x128xf32, #tpu.memory_space<vmem>>, vector<1x16xf32>,
        %get3A_170 = vector.shape_cast %get3A_169 : vector<1x16xf32> to vector<16xf32>
        %mul3A_171 = arith.constant 2 : i32
        %mul3A_172 = arith.muli %mul3A_171, %scan3A_135 : i32
        %add3A_173 = arith.constant 0 : i32
        %add3A_174 = arith.addi %mul3A_172, %add3A_173 : i32
        %get3A_175 = arith.index_cast %add3A_174 : i32 to index
        %get3A_176 = arith.constant 16 : index
        %get3A_177 = tpu.vector_load %arg14[%get3A_175, %get3A_176] {strides = array<i32>} : memref<80x128xf32, #tpu.memory_space<vmem>>, vector<1x16xf32>,
        %get3A_178 = vector.shape_cast %get3A_177 : vector<1x16xf32> to vector<16xf32>
        %add3A_179 = arith.addf %get3A_170, %get3A_178 : vector<16xf32>
        %max3A_180 = arith.constant 0.000000e+00 : f32
        %max3A_181 = vector.broadcast %max3A_180 : f32 to vector<16xf32>
        %max3A_182 = arith.maximumf %add3A_179, %max3A_181 : vector<16xf32>
        %mul3A_183 = arith.constant 2 : i32
        %mul3A_184 = arith.muli %mul3A_183, %scan3A_135 : i32
        %add3A_185 = arith.constant 0 : i32
        %add3A_186 = arith.addi %mul3A_184, %add3A_185 : i32
        %swap3A_187 = arith.index_cast %add3A_186 : i32 to index
        %swap3A_188 = arith.constant 16 : index
        %swap3A_189 = tpu.vector_load %arg14[%swap3A_187, %swap3A_188] {strides = array<i32>} : memref<80x128xf32, #tpu.memory_space<vmem>>, vector<1x16xf32>,
        %swap3A_190 = vector.shape_cast %swap3A_189 : vector<1x16xf32> to vector<16xf32>
        %swap3A_191 = vector.shape_cast %max3A_182 : vector<16xf32> to vector<1x16xf32>
        tpu.vector_store %arg14[%swap3A_187, %swap3A_188], %swap3A_191 {strides = array<i32>} : memref<80x128xf32, #tpu.memory_space<vmem>>, vector<1x16xf32>,
        %mul3A_192 = arith.constant 2 : i32
        %mul3A_193 = arith.muli %mul3A_192, %scan3A_135 : i32
        %add3A_194 = arith.constant 0 : i32
        %add3A_195 = arith.addi %mul3A_193, %add3A_194 : i32
        %get3A_196 = arith.index_cast %add3A_195 : i32 to index
        %get3A_197 = arith.constant 32 : index
        %get3A_198 = tpu.vector_load %arg13[%get3A_196, %get3A_197] {strides = array<i32>} : memref<80x128xf32, #tpu.memory_space<vmem>>, vector<1x16xf32>,
        %get3A_199 = vector.shape_cast %get3A_198 : vector<1x16xf32> to vector<16xf32>
        %mul3A_200 = arith.constant 2 : i32
        %mul3A_201 = arith.muli %mul3A_200, %scan3A_135 : i32
        %add3A_202 = arith.constant 0 : i32
        %add3A_203 = arith.addi %mul3A_201, %add3A_202 : i32
        %get3A_204 = arith.index_cast %add3A_203 : i32 to index
        %get3A_205 = arith.constant 32 : index
        %get3A_206 = tpu.vector_load %arg14[%get3A_204, %get3A_205] {strides = array<i32>} : memref<80x128xf32, #tpu.memory_space<vmem>>, vector<1x16xf32>,
        %get3A_207 = vector.shape_cast %get3A_206 : vector<1x16xf32> to vector<16xf32>
        %add3A_208 = arith.addf %get3A_199, %get3A_207 : vector<16xf32>
        %max3A_209 = arith.constant 0.000000e+00 : f32
        %max3A_210 = vector.broadcast %max3A_209 : f32 to vector<16xf32>
        %max3A_211 = arith.maximumf %add3A_208, %max3A_210 : vector<16xf32>
        %mul3A_212 = arith.constant 2 : i32
        %mul3A_213 = arith.muli %mul3A_212, %scan3A_135 : i32
        %add3A_214 = arith.constant 0 : i32
        %add3A_215 = arith.addi %mul3A_213, %add3A_214 : i32
        %swap3A_216 = arith.index_cast %add3A_215 : i32 to index
        %swap3A_217 = arith.constant 32 : index
        %swap3A_218 = tpu.vector_load %arg14[%swap3A_216, %swap3A_217] {strides = array<i32>} : memref<80x128xf32, #tpu.memory_space<vmem>>, vector<1x16xf32>,
        %swap3A_219 = vector.shape_cast %swap3A_218 : vector<1x16xf32> to vector<16xf32>
        %swap3A_220 = vector.shape_cast %max3A_211 : vector<16xf32> to vector<1x16xf32>
        tpu.vector_store %arg14[%swap3A_216, %swap3A_217], %swap3A_220 {strides = array<i32>} : memref<80x128xf32, #tpu.memory_space<vmem>>, vector<1x16xf32>,
        %mul3A_221 = arith.constant 2 : i32
        %mul3A_222 = arith.muli %mul3A_221, %scan3A_135 : i32
        %add3A_223 = arith.constant 0 : i32
        %add3A_224 = arith.addi %mul3A_222, %add3A_223 : i32
        %get3A_225 = arith.index_cast %add3A_224 : i32 to index
        %get3A_226 = arith.constant 48 : index
        %get3A_227 = tpu.vector_load %arg13[%get3A_225, %get3A_226] {strides = array<i32>} : memref<80x128xf32, #tpu.memory_space<vmem>>, vector<1x16xf32>,
        %get3A_228 = vector.shape_cast %get3A_227 : vector<1x16xf32> to vector<16xf32>
        %mul3A_229 = arith.constant 2 : i32
        %mul3A_230 = arith.muli %mul3A_229, %scan3A_135 : i32
        %add3A_231 = arith.constant 0 : i32
        %add3A_232 = arith.addi %mul3A_230, %add3A_231 : i32
        %get3A_233 = arith.index_cast %add3A_232 : i32 to index
        %get3A_234 = arith.constant 48 : index
        %get3A_235 = tpu.vector_load %arg14[%get3A_233, %get3A_234] {strides = array<i32>} : memref<80x128xf32, #tpu.memory_space<vmem>>, vector<1x16xf32>,
        %get3A_236 = vector.shape_cast %get3A_235 : vector<1x16xf32> to vector<16xf32>
        %add3A_237 = arith.addf %get3A_228, %get3A_236 : vector<16xf32>
        %max3A_238 = arith.constant 0.000000e+00 : f32
        %max3A_239 = vector.broadcast %max3A_238 : f32 to vector<16xf32>
        %max3A_240 = arith.maximumf %add3A_237, %max3A_239 : vector<16xf32>
        %mul3A_241 = arith.constant 2 : i32
        %mul3A_242 = arith.muli %mul3A_241, %scan3A_135 : i32
        %add3A_243 = arith.constant 0 : i32
        %add3A_244 = arith.addi %mul3A_242, %add3A_243 : i32
        %swap3A_245 = arith.index_cast %add3A_244 : i32 to index
        %swap3A_246 = arith.constant 48 : index
        %swap3A_247 = tpu.vector_load %arg14[%swap3A_245, %swap3A_246] {strides = array<i32>} : memref<80x128xf32, #tpu.memory_space<vmem>>, vector<1x16xf32>,
        %swap3A_248 = vector.shape_cast %swap3A_247 : vector<1x16xf32> to vector<16xf32>
        %swap3A_249 = vector.shape_cast %max3A_240 : vector<16xf32> to vector<1x16xf32>
        tpu.vector_store %arg14[%swap3A_245, %swap3A_246], %swap3A_249 {strides = array<i32>} : memref<80x128xf32, #tpu.memory_space<vmem>>, vector<1x16xf32>,
        %mul3A_250 = arith.constant 2 : i32
        %mul3A_251 = arith.muli %mul3A_250, %scan3A_135 : i32
        %add3A_252 = arith.constant 0 : i32
        %add3A_253 = arith.addi %mul3A_251, %add3A_252 : i32
        %get3A_254 = arith.index_cast %add3A_253 : i32 to index
        %get3A_255 = arith.constant 64 : index
        %get3A_256 = tpu.vector_load %arg13[%get3A_254, %get3A_255] {strides = array<i32>} : memref<80x128xf32, #tpu.memory_space<vmem>>, vector<1x16xf32>,
        %get3A_257 = vector.shape_cast %get3A_256 : vector<1x16xf32> to vector<16xf32>
        %mul3A_258 = arith.constant 2 : i32
        %mul3A_259 = arith.muli %mul3A_258, %scan3A_135 : i32
        %add3A_260 = arith.constant 0 : i32
        %add3A_261 = arith.addi %mul3A_259, %add3A_260 : i32
        %get3A_262 = arith.index_cast %add3A_261 : i32 to index
        %get3A_263 = arith.constant 64 : index
        %get3A_264 = tpu.vector_load %arg14[%get3A_262, %get3A_263] {strides = array<i32>} : memref<80x128xf32, #tpu.memory_space<vmem>>, vector<1x16xf32>,
        %get3A_265 = vector.shape_cast %get3A_264 : vector<1x16xf32> to vector<16xf32>
        %add3A_266 = arith.addf %get3A_257, %get3A_265 : vector<16xf32>
        %max3A_267 = arith.constant 0.000000e+00 : f32
        %max3A_268 = vector.broadcast %max3A_267 : f32 to vector<16xf32>
        %max3A_269 = arith.maximumf %add3A_266, %max3A_268 : vector<16xf32>
        %mul3A_270 = arith.constant 2 : i32
        %mul3A_271 = arith.muli %mul3A_270, %scan3A_135 : i32
        %add3A_272 = arith.constant 0 : i32
        %add3A_273 = arith.addi %mul3A_271, %add3A_272 : i32
        %swap3A_274 = arith.index_cast %add3A_273 : i32 to index
        %swap3A_275 = arith.constant 64 : index
        %swap3A_276 = tpu.vector_load %arg14[%swap3A_274, %swap3A_275] {strides = array<i32>} : memref<80x128xf32, #tpu.memory_space<vmem>>, vector<1x16xf32>,
        %swap3A_277 = vector.shape_cast %swap3A_276 : vector<1x16xf32> to vector<16xf32>
        %swap3A_278 = vector.shape_cast %max3A_269 : vector<16xf32> to vector<1x16xf32>
        tpu.vector_store %arg14[%swap3A_274, %swap3A_275], %swap3A_278 {strides = array<i32>} : memref<80x128xf32, #tpu.memory_space<vmem>>, vector<1x16xf32>,
        %mul3A_279 = arith.constant 2 : i32
        %mul3A_280 = arith.muli %mul3A_279, %scan3A_135 : i32
        %add3A_281 = arith.constant 0 : i32
        %add3A_282 = arith.addi %mul3A_280, %add3A_281 : i32
        %get3A_283 = arith.index_cast %add3A_282 : i32 to index
        %get3A_284 = arith.constant 80 : index
        %get3A_285 = tpu.vector_load %arg13[%get3A_283, %get3A_284] {strides = array<i32>} : memref<80x128xf32, #tpu.memory_space<vmem>>, vector<1x16xf32>,
        %get3A_286 = vector.shape_cast %get3A_285 : vector<1x16xf32> to vector<16xf32>
        %mul3A_287 = arith.constant 2 : i32
        %mul3A_288 = arith.muli %mul3A_287, %scan3A_135 : i32
        %add3A_289 = arith.constant 0 : i32
        %add3A_290 = arith.addi %mul3A_288, %add3A_289 : i32
        %get3A_291 = arith.index_cast %add3A_290 : i32 to index
        %get3A_292 = arith.constant 80 : index
        %get3A_293 = tpu.vector_load %arg14[%get3A_291, %get3A_292] {strides = array<i32>} : memref<80x128xf32, #tpu.memory_space<vmem>>, vector<1x16xf32>,
        %get3A_294 = vector.shape_cast %get3A_293 : vector<1x16xf32> to vector<16xf32>
        %add3A_295 = arith.addf %get3A_286, %get3A_294 : vector<16xf32>
        %max3A_296 = arith.constant 0.000000e+00 : f32
        %max3A_297 = vector.broadcast %max3A_296 : f32 to vector<16xf32>
        %max3A_298 = arith.maximumf %add3A_295, %max3A_297 : vector<16xf32>
        %mul3A_299 = arith.constant 2 : i32
        %mul3A_300 = arith.muli %mul3A_299, %scan3A_135 : i32
        %add3A_301 = arith.constant 0 : i32
        %add3A_302 = arith.addi %mul3A_300, %add3A_301 : i32
        %swap3A_303 = arith.index_cast %add3A_302 : i32 to index
        %swap3A_304 = arith.constant 80 : index
        %swap3A_305 = tpu.vector_load %arg14[%swap3A_303, %swap3A_304] {strides = array<i32>} : memref<80x128xf32, #tpu.memory_space<vmem>>, vector<1x16xf32>,
        %swap3A_306 = vector.shape_cast %swap3A_305 : vector<1x16xf32> to vector<16xf32>
        %swap3A_307 = vector.shape_cast %max3A_298 : vector<16xf32> to vector<1x16xf32>
        tpu.vector_store %arg14[%swap3A_303, %swap3A_304], %swap3A_307 {strides = array<i32>} : memref<80x128xf32, #tpu.memory_space<vmem>>, vector<1x16xf32>,
        %mul3A_308 = arith.constant 2 : i32
        %mul3A_309 = arith.muli %mul3A_308, %scan3A_135 : i32
        %add3A_310 = arith.constant 0 : i32
        %add3A_311 = arith.addi %mul3A_309, %add3A_310 : i32
        %get3A_312 = arith.index_cast %add3A_311 : i32 to index
        %get3A_313 = arith.constant 96 : index
        %get3A_314 = tpu.vector_load %arg13[%get3A_312, %get3A_313] {strides = array<i32>} : memref<80x128xf32, #tpu.memory_space<vmem>>, vector<1x16xf32>,
        %get3A_315 = vector.shape_cast %get3A_314 : vector<1x16xf32> to vector<16xf32>
        %mul3A_316 = arith.constant 2 : i32
        %mul3A_317 = arith.muli %mul3A_316, %scan3A_135 : i32
        %add3A_318 = arith.constant 0 : i32
        %add3A_319 = arith.addi %mul3A_317, %add3A_318 : i32
        %get3A_320 = arith.index_cast %add3A_319 : i32 to index
        %get3A_321 = arith.constant 96 : index
        %get3A_322 = tpu.vector_load %arg14[%get3A_320, %get3A_321] {strides = array<i32>} : memref<80x128xf32, #tpu.memory_space<vmem>>, vector<1x16xf32>,
        %get3A_323 = vector.shape_cast %get3A_322 : vector<1x16xf32> to vector<16xf32>
        %add3A_324 = arith.addf %get3A_315, %get3A_323 : vector<16xf32>
        %max3A_325 = arith.constant 0.000000e+00 : f32
        %max3A_326 = vector.broadcast %max3A_325 : f32 to vector<16xf32>
        %max3A_327 = arith.maximumf %add3A_324, %max3A_326 : vector<16xf32>
        %mul3A_328 = arith.constant 2 : i32
        %mul3A_329 = arith.muli %mul3A_328, %scan3A_135 : i32
        %add3A_330 = arith.constant 0 : i32
        %add3A_331 = arith.addi %mul3A_329, %add3A_330 : i32
        %swap3A_332 = arith.index_cast %add3A_331 : i32 to index
        %swap3A_333 = arith.constant 96 : index
        %swap3A_334 = tpu.vector_load %arg14[%swap3A_332, %swap3A_333] {strides = array<i32>} : memref<80x128xf32, #tpu.memory_space<vmem>>, vector<1x16xf32>,
        %swap3A_335 = vector.shape_cast %swap3A_334 : vector<1x16xf32> to vector<16xf32>
        %swap3A_336 = vector.shape_cast %max3A_327 : vector<16xf32> to vector<1x16xf32>
        tpu.vector_store %arg14[%swap3A_332, %swap3A_333], %swap3A_336 {strides = array<i32>} : memref<80x128xf32, #tpu.memory_space<vmem>>, vector<1x16xf32>,
        %mul3A_337 = arith.constant 2 : i32
        %mul3A_338 = arith.muli %mul3A_337, %scan3A_135 : i32
        %add3A_339 = arith.constant 0 : i32
        %add3A_340 = arith.addi %mul3A_338, %add3A_339 : i32
        %get3A_341 = arith.index_cast %add3A_340 : i32 to index
        %get3A_342 = arith.constant 112 : index
        %get3A_343 = tpu.vector_load %arg13[%get3A_341, %get3A_342] {strides = array<i32>} : memref<80x128xf32, #tpu.memory_space<vmem>>, vector<1x16xf32>,
        %get3A_344 = vector.shape_cast %get3A_343 : vector<1x16xf32> to vector<16xf32>
        %mul3A_345 = arith.constant 2 : i32
        %mul3A_346 = arith.muli %mul3A_345, %scan3A_135 : i32
        %add3A_347 = arith.constant 0 : i32
        %add3A_348 = arith.addi %mul3A_346, %add3A_347 : i32
        %get3A_349 = arith.index_cast %add3A_348 : i32 to index
        %get3A_350 = arith.constant 112 : index
        %get3A_351 = tpu.vector_load %arg14[%get3A_349, %get3A_350] {strides = array<i32>} : memref<80x128xf32, #tpu.memory_space<vmem>>, vector<1x16xf32>,
        %get3A_352 = vector.shape_cast %get3A_351 : vector<1x16xf32> to vector<16xf32>
        %add3A_353 = arith.addf %get3A_344, %get3A_352 : vector<16xf32>
        %max3A_354 = arith.constant 0.000000e+00 : f32
        %max3A_355 = vector.broadcast %max3A_354 : f32 to vector<16xf32>
        %max3A_356 = arith.maximumf %add3A_353, %max3A_355 : vector<16xf32>
        %mul3A_357 = arith.constant 2 : i32
        %mul3A_358 = arith.muli %mul3A_357, %scan3A_135 : i32
        %add3A_359 = arith.constant 0 : i32
        %add3A_360 = arith.addi %mul3A_358, %add3A_359 : i32
        %swap3A_361 = arith.index_cast %add3A_360 : i32 to index
        %swap3A_362 = arith.constant 112 : index
        %swap3A_363 = tpu.vector_load %arg14[%swap3A_361, %swap3A_362] {strides = array<i32>} : memref<80x128xf32, #tpu.memory_space<vmem>>, vector<1x16xf32>,
        %swap3A_364 = vector.shape_cast %swap3A_363 : vector<1x16xf32> to vector<16xf32>
        %swap3A_365 = vector.shape_cast %max3A_356 : vector<16xf32> to vector<1x16xf32>
        tpu.vector_store %arg14[%swap3A_361, %swap3A_362], %swap3A_365 {strides = array<i32>} : memref<80x128xf32, #tpu.memory_space<vmem>>, vector<1x16xf32>,
        %mul3A_366 = arith.constant 2 : i32
        %mul3A_367 = arith.muli %mul3A_366, %scan3A_135 : i32
        %add3A_368 = arith.constant 1 : i32
        %add3A_369 = arith.addi %mul3A_367, %add3A_368 : i32
        %get3A_370 = arith.index_cast %add3A_369 : i32 to index
        %get3A_371 = arith.constant 0 : index
        %get3A_372 = tpu.vector_load %arg13[%get3A_370, %get3A_371] {strides = array<i32>} : memref<80x128xf32, #tpu.memory_space<vmem>>, vector<1x16xf32>,
        %get3A_373 = vector.shape_cast %get3A_372 : vector<1x16xf32> to vector<16xf32>
        %mul3A_374 = arith.constant 2 : i32
        %mul3A_375 = arith.muli %mul3A_374, %scan3A_135 : i32
        %add3A_376 = arith.constant 1 : i32
        %add3A_377 = arith.addi %mul3A_375, %add3A_376 : i32
        %get3A_378 = arith.index_cast %add3A_377 : i32 to index
        %get3A_379 = arith.constant 0 : index
        %get3A_380 = tpu.vector_load %arg14[%get3A_378, %get3A_379] {strides = array<i32>} : memref<80x128xf32, #tpu.memory_space<vmem>>, vector<1x16xf32>,
        %get3A_381 = vector.shape_cast %get3A_380 : vector<1x16xf32> to vector<16xf32>
        %add3A_382 = arith.addf %get3A_373, %get3A_381 : vector<16xf32>
        %max3A_383 = arith.constant 0.000000e+00 : f32
        %max3A_384 = vector.broadcast %max3A_383 : f32 to vector<16xf32>
        %max3A_385 = arith.maximumf %add3A_382, %max3A_384 : vector<16xf32>
        %mul3A_386 = arith.constant 2 : i32
        %mul3A_387 = arith.muli %mul3A_386, %scan3A_135 : i32
        %add3A_388 = arith.constant 1 : i32
        %add3A_389 = arith.addi %mul3A_387, %add3A_388 : i32
        %swap3A_390 = arith.index_cast %add3A_389 : i32 to index
        %swap3A_391 = arith.constant 0 : index
        %swap3A_392 = tpu.vector_load %arg14[%swap3A_390, %swap3A_391] {strides = array<i32>} : memref<80x128xf32, #tpu.memory_space<vmem>>, vector<1x16xf32>,
        %swap3A_393 = vector.shape_cast %swap3A_392 : vector<1x16xf32> to vector<16xf32>
        %swap3A_394 = vector.shape_cast %max3A_385 : vector<16xf32> to vector<1x16xf32>
        tpu.vector_store %arg14[%swap3A_390, %swap3A_391], %swap3A_394 {strides = array<i32>} : memref<80x128xf32, #tpu.memory_space<vmem>>, vector<1x16xf32>,
        %mul3A_395 = arith.constant 2 : i32
        %mul3A_396 = arith.muli %mul3A_395, %scan3A_135 : i32
        %add3A_397 = arith.constant 1 : i32
        %add3A_398 = arith.addi %mul3A_396, %add3A_397 : i32
        %get3A_399 = arith.index_cast %add3A_398 : i32 to index
        %get3A_400 = arith.constant 16 : index
        %get3A_401 = tpu.vector_load %arg13[%get3A_399, %get3A_400] {strides = array<i32>} : memref<80x128xf32, #tpu.memory_space<vmem>>, vector<1x16xf32>,
        %get3A_402 = vector.shape_cast %get3A_401 : vector<1x16xf32> to vector<16xf32>
        %mul3A_403 = arith.constant 2 : i32
        %mul3A_404 = arith.muli %mul3A_403, %scan3A_135 : i32
        %add3A_405 = arith.constant 1 : i32
        %add3A_406 = arith.addi %mul3A_404, %add3A_405 : i32
        %get3A_407 = arith.index_cast %add3A_406 : i32 to index
        %get3A_408 = arith.constant 16 : index
        %get3A_409 = tpu.vector_load %arg14[%get3A_407, %get3A_408] {strides = array<i32>} : memref<80x128xf32, #tpu.memory_space<vmem>>, vector<1x16xf32>,
        %get3A_410 = vector.shape_cast %get3A_409 : vector<1x16xf32> to vector<16xf32>
        %add3A_411 = arith.addf %get3A_402, %get3A_410 : vector<16xf32>
        %max3A_412 = arith.constant 0.000000e+00 : f32
        %max3A_413 = vector.broadcast %max3A_412 : f32 to vector<16xf32>
        %max3A_414 = arith.maximumf %add3A_411, %max3A_413 : vector<16xf32>
        %mul3A_415 = arith.constant 2 : i32
        %mul3A_416 = arith.muli %mul3A_415, %scan3A_135 : i32
        %add3A_417 = arith.constant 1 : i32
        %add3A_418 = arith.addi %mul3A_416, %add3A_417 : i32
        %swap3A_419 = arith.index_cast %add3A_418 : i32 to index
        %swap3A_420 = arith.constant 16 : index
        %swap3A_421 = tpu.vector_load %arg14[%swap3A_419, %swap3A_420] {strides = array<i32>} : memref<80x128xf32, #tpu.memory_space<vmem>>, vector<1x16xf32>,
        %swap3A_422 = vector.shape_cast %swap3A_421 : vector<1x16xf32> to vector<16xf32>
        %swap3A_423 = vector.shape_cast %max3A_414 : vector<16xf32> to vector<1x16xf32>
        tpu.vector_store %arg14[%swap3A_419, %swap3A_420], %swap3A_423 {strides = array<i32>} : memref<80x128xf32, #tpu.memory_space<vmem>>, vector<1x16xf32>,
        %mul3A_424 = arith.constant 2 : i32
        %mul3A_425 = arith.muli %mul3A_424, %scan3A_135 : i32
        %add3A_426 = arith.constant 1 : i32
        %add3A_427 = arith.addi %mul3A_425, %add3A_426 : i32
        %get3A_428 = arith.index_cast %add3A_427 : i32 to index
        %get3A_429 = arith.constant 32 : index
        %get3A_430 = tpu.vector_load %arg13[%get3A_428, %get3A_429] {strides = array<i32>} : memref<80x128xf32, #tpu.memory_space<vmem>>, vector<1x16xf32>,
        %get3A_431 = vector.shape_cast %get3A_430 : vector<1x16xf32> to vector<16xf32>
        %mul3A_432 = arith.constant 2 : i32
        %mul3A_433 = arith.muli %mul3A_432, %scan3A_135 : i32
        %add3A_434 = arith.constant 1 : i32
        %add3A_435 = arith.addi %mul3A_433, %add3A_434 : i32
        %get3A_436 = arith.index_cast %add3A_435 : i32 to index
        %get3A_437 = arith.constant 32 : index
        %get3A_438 = tpu.vector_load %arg14[%get3A_436, %get3A_437] {strides = array<i32>} : memref<80x128xf32, #tpu.memory_space<vmem>>, vector<1x16xf32>,
        %get3A_439 = vector.shape_cast %get3A_438 : vector<1x16xf32> to vector<16xf32>
        %add3A_440 = arith.addf %get3A_431, %get3A_439 : vector<16xf32>
        %max3A_441 = arith.constant 0.000000e+00 : f32
        %max3A_442 = vector.broadcast %max3A_441 : f32 to vector<16xf32>
        %max3A_443 = arith.maximumf %add3A_440, %max3A_442 : vector<16xf32>
        %mul3A_444 = arith.constant 2 : i32
        %mul3A_445 = arith.muli %mul3A_444, %scan3A_135 : i32
        %add3A_446 = arith.constant 1 : i32
        %add3A_447 = arith.addi %mul3A_445, %add3A_446 : i32
        %swap3A_448 = arith.index_cast %add3A_447 : i32 to index
        %swap3A_449 = arith.constant 32 : index
        %swap3A_450 = tpu.vector_load %arg14[%swap3A_448, %swap3A_449] {strides = array<i32>} : memref<80x128xf32, #tpu.memory_space<vmem>>, vector<1x16xf32>,
        %swap3A_451 = vector.shape_cast %swap3A_450 : vector<1x16xf32> to vector<16xf32>
        %swap3A_452 = vector.shape_cast %max3A_443 : vector<16xf32> to vector<1x16xf32>
        tpu.vector_store %arg14[%swap3A_448, %swap3A_449], %swap3A_452 {strides = array<i32>} : memref<80x128xf32, #tpu.memory_space<vmem>>, vector<1x16xf32>,
        %mul3A_453 = arith.constant 2 : i32
        %mul3A_454 = arith.muli %mul3A_453, %scan3A_135 : i32
        %add3A_455 = arith.constant 1 : i32
        %add3A_456 = arith.addi %mul3A_454, %add3A_455 : i32
        %get3A_457 = arith.index_cast %add3A_456 : i32 to index
        %get3A_458 = arith.constant 48 : index
        %get3A_459 = tpu.vector_load %arg13[%get3A_457, %get3A_458] {strides = array<i32>} : memref<80x128xf32, #tpu.memory_space<vmem>>, vector<1x16xf32>,
        %get3A_460 = vector.shape_cast %get3A_459 : vector<1x16xf32> to vector<16xf32>
        %mul3A_461 = arith.constant 2 : i32
        %mul3A_462 = arith.muli %mul3A_461, %scan3A_135 : i32
        %add3A_463 = arith.constant 1 : i32
        %add3A_464 = arith.addi %mul3A_462, %add3A_463 : i32
        %get3A_465 = arith.index_cast %add3A_464 : i32 to index
        %get3A_466 = arith.constant 48 : index
        %get3A_467 = tpu.vector_load %arg14[%get3A_465, %get3A_466] {strides = array<i32>} : memref<80x128xf32, #tpu.memory_space<vmem>>, vector<1x16xf32>,
        %get3A_468 = vector.shape_cast %get3A_467 : vector<1x16xf32> to vector<16xf32>
        %add3A_469 = arith.addf %get3A_460, %get3A_468 : vector<16xf32>
        %max3A_470 = arith.constant 0.000000e+00 : f32
        %max3A_471 = vector.broadcast %max3A_470 : f32 to vector<16xf32>
        %max3A_472 = arith.maximumf %add3A_469, %max3A_471 : vector<16xf32>
        %mul3A_473 = arith.constant 2 : i32
        %mul3A_474 = arith.muli %mul3A_473, %scan3A_135 : i32
        %add3A_475 = arith.constant 1 : i32
        %add3A_476 = arith.addi %mul3A_474, %add3A_475 : i32
        %swap3A_477 = arith.index_cast %add3A_476 : i32 to index
        %swap3A_478 = arith.constant 48 : index
        %swap3A_479 = tpu.vector_load %arg14[%swap3A_477, %swap3A_478] {strides = array<i32>} : memref<80x128xf32, #tpu.memory_space<vmem>>, vector<1x16xf32>,
        %swap3A_480 = vector.shape_cast %swap3A_479 : vector<1x16xf32> to vector<16xf32>
        %swap3A_481 = vector.shape_cast %max3A_472 : vector<16xf32> to vector<1x16xf32>
        tpu.vector_store %arg14[%swap3A_477, %swap3A_478], %swap3A_481 {strides = array<i32>} : memref<80x128xf32, #tpu.memory_space<vmem>>, vector<1x16xf32>,
        %mul3A_482 = arith.constant 2 : i32
        %mul3A_483 = arith.muli %mul3A_482, %scan3A_135 : i32
        %add3A_484 = arith.constant 1 : i32
        %add3A_485 = arith.addi %mul3A_483, %add3A_484 : i32
        %get3A_486 = arith.index_cast %add3A_485 : i32 to index
        %get3A_487 = arith.constant 64 : index
        %get3A_488 = tpu.vector_load %arg13[%get3A_486, %get3A_487] {strides = array<i32>} : memref<80x128xf32, #tpu.memory_space<vmem>>, vector<1x16xf32>,
        %get3A_489 = vector.shape_cast %get3A_488 : vector<1x16xf32> to vector<16xf32>
        %mul3A_490 = arith.constant 2 : i32
        %mul3A_491 = arith.muli %mul3A_490, %scan3A_135 : i32
        %add3A_492 = arith.constant 1 : i32
        %add3A_493 = arith.addi %mul3A_491, %add3A_492 : i32
        %get3A_494 = arith.index_cast %add3A_493 : i32 to index
        %get3A_495 = arith.constant 64 : index
        %get3A_496 = tpu.vector_load %arg14[%get3A_494, %get3A_495] {strides = array<i32>} : memref<80x128xf32, #tpu.memory_space<vmem>>, vector<1x16xf32>,
        %get3A_497 = vector.shape_cast %get3A_496 : vector<1x16xf32> to vector<16xf32>
        %add3A_498 = arith.addf %get3A_489, %get3A_497 : vector<16xf32>
        %max3A_499 = arith.constant 0.000000e+00 : f32
        %max3A_500 = vector.broadcast %max3A_499 : f32 to vector<16xf32>
        %max3A_501 = arith.maximumf %add3A_498, %max3A_500 : vector<16xf32>
        %mul3A_502 = arith.constant 2 : i32
        %mul3A_503 = arith.muli %mul3A_502, %scan3A_135 : i32
        %add3A_504 = arith.constant 1 : i32
        %add3A_505 = arith.addi %mul3A_503, %add3A_504 : i32
        %swap3A_506 = arith.index_cast %add3A_505 : i32 to index
        %swap3A_507 = arith.constant 64 : index
        %swap3A_508 = tpu.vector_load %arg14[%swap3A_506, %swap3A_507] {strides = array<i32>} : memref<80x128xf32, #tpu.memory_space<vmem>>, vector<1x16xf32>,
        %swap3A_509 = vector.shape_cast %swap3A_508 : vector<1x16xf32> to vector<16xf32>
        %swap3A_510 = vector.shape_cast %max3A_501 : vector<16xf32> to vector<1x16xf32>
        tpu.vector_store %arg14[%swap3A_506, %swap3A_507], %swap3A_510 {strides = array<i32>} : memref<80x128xf32, #tpu.memory_space<vmem>>, vector<1x16xf32>,
        %mul3A_511 = arith.constant 2 : i32
        %mul3A_512 = arith.muli %mul3A_511, %scan3A_135 : i32
        %add3A_513 = arith.constant 1 : i32
        %add3A_514 = arith.addi %mul3A_512, %add3A_513 : i32
        %get3A_515 = arith.index_cast %add3A_514 : i32 to index
        %get3A_516 = arith.constant 80 : index
        %get3A_517 = tpu.vector_load %arg13[%get3A_515, %get3A_516] {strides = array<i32>} : memref<80x128xf32, #tpu.memory_space<vmem>>, vector<1x16xf32>,
        %get3A_518 = vector.shape_cast %get3A_517 : vector<1x16xf32> to vector<16xf32>
        %mul3A_519 = arith.constant 2 : i32
        %mul3A_520 = arith.muli %mul3A_519, %scan3A_135 : i32
        %add3A_521 = arith.constant 1 : i32
        %add3A_522 = arith.addi %mul3A_520, %add3A_521 : i32
        %get3A_523 = arith.index_cast %add3A_522 : i32 to index
        %get3A_524 = arith.constant 80 : index
        %get3A_525 = tpu.vector_load %arg14[%get3A_523, %get3A_524] {strides = array<i32>} : memref<80x128xf32, #tpu.memory_space<vmem>>, vector<1x16xf32>,
        %get3A_526 = vector.shape_cast %get3A_525 : vector<1x16xf32> to vector<16xf32>
        %add3A_527 = arith.addf %get3A_518, %get3A_526 : vector<16xf32>
        %max3A_528 = arith.constant 0.000000e+00 : f32
        %max3A_529 = vector.broadcast %max3A_528 : f32 to vector<16xf32>
        %max3A_530 = arith.maximumf %add3A_527, %max3A_529 : vector<16xf32>
        %mul3A_531 = arith.constant 2 : i32
        %mul3A_532 = arith.muli %mul3A_531, %scan3A_135 : i32
        %add3A_533 = arith.constant 1 : i32
        %add3A_534 = arith.addi %mul3A_532, %add3A_533 : i32
        %swap3A_535 = arith.index_cast %add3A_534 : i32 to index
        %swap3A_536 = arith.constant 80 : index
        %swap3A_537 = tpu.vector_load %arg14[%swap3A_535, %swap3A_536] {strides = array<i32>} : memref<80x128xf32, #tpu.memory_space<vmem>>, vector<1x16xf32>,
        %swap3A_538 = vector.shape_cast %swap3A_537 : vector<1x16xf32> to vector<16xf32>
        %swap3A_539 = vector.shape_cast %max3A_530 : vector<16xf32> to vector<1x16xf32>
        tpu.vector_store %arg14[%swap3A_535, %swap3A_536], %swap3A_539 {strides = array<i32>} : memref<80x128xf32, #tpu.memory_space<vmem>>, vector<1x16xf32>,
        %mul3A_540 = arith.constant 2 : i32
        %mul3A_541 = arith.muli %mul3A_540, %scan3A_135 : i32
        %add3A_542 = arith.constant 1 : i32
        %add3A_543 = arith.addi %mul3A_541, %add3A_542 : i32
        %get3A_544 = arith.index_cast %add3A_543 : i32 to index
        %get3A_545 = arith.constant 96 : index
        %get3A_546 = tpu.vector_load %arg13[%get3A_544, %get3A_545] {strides = array<i32>} : memref<80x128xf32, #tpu.memory_space<vmem>>, vector<1x16xf32>,
        %get3A_547 = vector.shape_cast %get3A_546 : vector<1x16xf32> to vector<16xf32>
        %mul3A_548 = arith.constant 2 : i32
        %mul3A_549 = arith.muli %mul3A_548, %scan3A_135 : i32
        %add3A_550 = arith.constant 1 : i32
        %add3A_551 = arith.addi %mul3A_549, %add3A_550 : i32
        %get3A_552 = arith.index_cast %add3A_551 : i32 to index
        %get3A_553 = arith.constant 96 : index
        %get3A_554 = tpu.vector_load %arg14[%get3A_552, %get3A_553] {strides = array<i32>} : memref<80x128xf32, #tpu.memory_space<vmem>>, vector<1x16xf32>,
        %get3A_555 = vector.shape_cast %get3A_554 : vector<1x16xf32> to vector<16xf32>
        %add3A_556 = arith.addf %get3A_547, %get3A_555 : vector<16xf32>
        %max3A_557 = arith.constant 0.000000e+00 : f32
        %max3A_558 = vector.broadcast %max3A_557 : f32 to vector<16xf32>
        %max3A_559 = arith.maximumf %add3A_556, %max3A_558 : vector<16xf32>
        %mul3A_560 = arith.constant 2 : i32
        %mul3A_561 = arith.muli %mul3A_560, %scan3A_135 : i32
        %add3A_562 = arith.constant 1 : i32
        %add3A_563 = arith.addi %mul3A_561, %add3A_562 : i32
        %swap3A_564 = arith.index_cast %add3A_563 : i32 to index
        %swap3A_565 = arith.constant 96 : index
        %swap3A_566 = tpu.vector_load %arg14[%swap3A_564, %swap3A_565] {strides = array<i32>} : memref<80x128xf32, #tpu.memory_space<vmem>>, vector<1x16xf32>,
        %swap3A_567 = vector.shape_cast %swap3A_566 : vector<1x16xf32> to vector<16xf32>
        %swap3A_568 = vector.shape_cast %max3A_559 : vector<16xf32> to vector<1x16xf32>
        tpu.vector_store %arg14[%swap3A_564, %swap3A_565], %swap3A_568 {strides = array<i32>} : memref<80x128xf32, #tpu.memory_space<vmem>>, vector<1x16xf32>,
        %mul3A_569 = arith.constant 2 : i32
        %mul3A_570 = arith.muli %mul3A_569, %scan3A_135 : i32
        %add3A_571 = arith.constant 1 : i32
        %add3A_572 = arith.addi %mul3A_570, %add3A_571 : i32
        %get3A_573 = arith.index_cast %add3A_572 : i32 to index
        %get3A_574 = arith.constant 112 : index
        %get3A_575 = tpu.vector_load %arg13[%get3A_573, %get3A_574] {strides = array<i32>} : memref<80x128xf32, #tpu.memory_space<vmem>>, vector<1x16xf32>,
        %get3A_576 = vector.shape_cast %get3A_575 : vector<1x16xf32> to vector<16xf32>
        %mul3A_577 = arith.constant 2 : i32
        %mul3A_578 = arith.muli %mul3A_577, %scan3A_135 : i32
        %add3A_579 = arith.constant 1 : i32
        %add3A_580 = arith.addi %mul3A_578, %add3A_579 : i32
        %get3A_581 = arith.index_cast %add3A_580 : i32 to index
        %get3A_582 = arith.constant 112 : index
        %get3A_583 = tpu.vector_load %arg14[%get3A_581, %get3A_582] {strides = array<i32>} : memref<80x128xf32, #tpu.memory_space<vmem>>, vector<1x16xf32>,
        %get3A_584 = vector.shape_cast %get3A_583 : vector<1x16xf32> to vector<16xf32>
        %add3A_585 = arith.addf %get3A_576, %get3A_584 : vector<16xf32>
        %max3A_586 = arith.constant 0.000000e+00 : f32
        %max3A_587 = vector.broadcast %max3A_586 : f32 to vector<16xf32>
        %max3A_588 = arith.maximumf %add3A_585, %max3A_587 : vector<16xf32>
        %mul3A_589 = arith.constant 2 : i32
        %mul3A_590 = arith.muli %mul3A_589, %scan3A_135 : i32
        %add3A_591 = arith.constant 1 : i32
        %add3A_592 = arith.addi %mul3A_590, %add3A_591 : i32
        %swap3A_593 = arith.index_cast %add3A_592 : i32 to index
        %swap3A_594 = arith.constant 112 : index
        %swap3A_595 = tpu.vector_load %arg14[%swap3A_593, %swap3A_594] {strides = array<i32>} : memref<80x128xf32, #tpu.memory_space<vmem>>, vector<1x16xf32>,
        %swap3A_596 = vector.shape_cast %swap3A_595 : vector<1x16xf32> to vector<16xf32>
        %swap3A_597 = vector.shape_cast %max3A_588 : vector<16xf32> to vector<1x16xf32>
        tpu.vector_store %arg14[%swap3A_593, %swap3A_594], %swap3A_597 {strides = array<i32>} : memref<80x128xf32, #tpu.memory_space<vmem>>, vector<1x16xf32>,
        %scan3A_598 = arith.constant 0 : i32
        scf.yield %scan3A_598 : i32
      }
      %scan3A_128 = arith.constant 40 : i32
      "tpu.region"() ({
        %run_scoped3A = tpu.sem_alloc : memref<!tpu.dma_semaphore, #tpu.memory_space<semaphore_mem>>
        %dma_start3A_135 = arith.constant 0 : i32
        %dma_start3A_136 = arith.constant 0 : i32
        %dma_start3A_137 = tpu.memref_slice %arg15[%dma_start3A_135, %dma_start3A_136] : memref<10240x128xf32, #tpu.memory_space<vmem_shared>> -> memref<10240x128xf32, #tpu.memory_space<vmem_shared>>
        tpu.enqueue_indirect_dma source(%arg14 : memref<80x128xf32, #tpu.memory_space<vmem>>) target(%dma_start3A_137 : memref<10240x128xf32, #tpu.memory_space<vmem_shared>>) offsets(%arg10 : memref<80xi32, #tpu.memory_space<vmem>>) semaphore(%run_scoped3A : memref<!tpu.dma_semaphore, #tpu.memory_space<semaphore_mem>>) {add = true}
        %dma_wait3A_138 = arith.constant 0 : i32
        %dma_wait3A_139 = arith.constant 0 : i32
        %dma_wait3A_140 = tpu.memref_slice %arg15[%dma_wait3A_138, %dma_wait3A_139] : memref<10240x128xf32, #tpu.memory_space<vmem_shared>> -> memref<10240x128xf32, #tpu.memory_space<vmem_shared>>
        tpu.wait_indirect_dma semaphore(%run_scoped3A : memref<!tpu.dma_semaphore, #tpu.memory_space<semaphore_mem>>) src(%arg14 : memref<80x128xf32, #tpu.memory_space<vmem>>) dst(%dma_wait3A_140 : memref<10240x128xf32, #tpu.memory_space<vmem_shared>>)
        tpu.yield
      }) : () -> ()
      %lt3A_129 = arith.constant 63 : i32
      %lt3A_130 = arith.cmpi slt, %scan3A_63, %lt3A_129 : i32
      %convert_element_type3A_131 = arith.extui %lt3A_130 : i1 to i32
      %cond3A_132 = arith.constant 0 : i32
      %cond3A_133 = arith.cmpi ne, %convert_element_type3A_131, %cond3A_132 : i32
      scf.if %cond3A_133 {
        %add3A_135 = arith.constant 2 : i32
        %add3A_136 = arith.addi %mul3A_66, %add3A_135 : i32
        %mul3A_137 = arith.constant 80 : i32
        %mul3A_138 = arith.muli %add3A_136, %mul3A_137 : i32
        %add3A_139 = arith.addi %mul3A_2, %mul3A_138 : i32
        %dma_wait3A_140 = tpu.memref_slice %arg2[%add3A_139] : memref<327680xi32, #tpu.memory_space<hbm>> -> memref<80xi32, #tpu.memory_space<hbm>>
        %dma_wait3A_141 = tpu.memref_slice %arg2[%add3A_139] : memref<327680xi32, #tpu.memory_space<hbm>> -> memref<80xi32, #tpu.memory_space<hbm>>
        tpu.wait_dma2 semaphore(%arg16 : memref<!tpu.dma_semaphore, #tpu.memory_space<semaphore_mem>>) src(%dma_wait3A_141 : memref<80xi32, #tpu.memory_space<hbm>>) dst(%arg7 : memref<80xi32, #tpu.memory_space<vmem>>)
        %mul3A_142 = arith.constant 80 : i32
        %mul3A_143 = arith.muli %add3A_136, %mul3A_142 : i32
        %add3A_144 = arith.addi %mul3A_2, %mul3A_143 : i32
        %dma_wait3A_145 = tpu.memref_slice %arg3[%add3A_144] : memref<327680xi32, #tpu.memory_space<hbm>> -> memref<80xi32, #tpu.memory_space<hbm>>
        %dma_wait3A_146 = tpu.memref_slice %arg3[%add3A_144] : memref<327680xi32, #tpu.memory_space<hbm>> -> memref<80xi32, #tpu.memory_space<hbm>>
        tpu.wait_dma2 semaphore(%arg16 : memref<!tpu.dma_semaphore, #tpu.memory_space<semaphore_mem>>) src(%dma_wait3A_146 : memref<80xi32, #tpu.memory_space<hbm>>) dst(%arg8 : memref<80xi32, #tpu.memory_space<vmem>>)
        %add3A_147 = arith.constant 2 : i32
        %add3A_148 = arith.addi %mul3A_66, %add3A_147 : i32
        %dma_start3A_149 = arith.constant 0 : i32
        %dma_start3A_150 = arith.constant 0 : i32
        %dma_start3A_151 = tpu.memref_slice %arg4[%dma_start3A_149, %dma_start3A_150] : memref<10000x128xf32, #tpu.memory_space<hbm>> -> memref<10000x128xf32, #tpu.memory_space<hbm>>
        tpu.enqueue_indirect_dma source(%dma_start3A_151 : memref<10000x128xf32, #tpu.memory_space<hbm>>) target(%arg11 : memref<80x128xf32, #tpu.memory_space<vmem>>) offsets(%arg7 : memref<80xi32, #tpu.memory_space<vmem>>) semaphore(%arg18 : memref<!tpu.dma_semaphore, #tpu.memory_space<semaphore_mem>>)
        %mul3A_152 = arith.constant 80 : i32
        %mul3A_153 = arith.muli %add3A_148, %mul3A_152 : i32
        %add3A_154 = arith.addi %mul3A_2, %mul3A_153 : i32
        %dma_start3A_155 = arith.constant 0 : i32
        %dma_start3A_156 = tpu.memref_slice %arg5[%add3A_154, %dma_start3A_155] : memref<327680x128xf32, #tpu.memory_space<hbm>> -> memref<80x128xf32, #tpu.memory_space<hbm>>
        %dma_start3A_157 = arith.constant 0 : i32
        %dma_start3A_158 = tpu.memref_slice %arg5[%add3A_154, %dma_start3A_157] : memref<327680x128xf32, #tpu.memory_space<hbm>> -> memref<80x128xf32, #tpu.memory_space<hbm>>
        tpu.enqueue_dma source(%dma_start3A_158 : memref<80x128xf32, #tpu.memory_space<hbm>>) target(%arg12 : memref<80x128xf32, #tpu.memory_space<vmem>>) target_semaphore(%arg20 : memref<!tpu.dma_semaphore, #tpu.memory_space<semaphore_mem>>)
        %add3A_159 = arith.constant 3 : i32
        %add3A_160 = arith.addi %mul3A_66, %add3A_159 : i32
        %mul3A_161 = arith.constant 80 : i32
        %mul3A_162 = arith.muli %add3A_160, %mul3A_161 : i32
        %add3A_163 = arith.addi %mul3A_2, %mul3A_162 : i32
        %dma_start3A_164 = tpu.memref_slice %arg2[%add3A_163] : memref<327680xi32, #tpu.memory_space<hbm>> -> memref<80xi32, #tpu.memory_space<hbm>>
        %dma_start3A_165 = tpu.memref_slice %arg2[%add3A_163] : memref<327680xi32, #tpu.memory_space<hbm>> -> memref<80xi32, #tpu.memory_space<hbm>>
        tpu.enqueue_dma source(%dma_start3A_165 : memref<80xi32, #tpu.memory_space<hbm>>) target(%arg9 : memref<80xi32, #tpu.memory_space<vmem>>) target_semaphore(%arg17 : memref<!tpu.dma_semaphore, #tpu.memory_space<semaphore_mem>>)
        %mul3A_166 = arith.constant 80 : i32
        %mul3A_167 = arith.muli %add3A_160, %mul3A_166 : i32
        %add3A_168 = arith.addi %mul3A_2, %mul3A_167 : i32
        %dma_start3A_169 = tpu.memref_slice %arg3[%add3A_168] : memref<327680xi32, #tpu.memory_space<hbm>> -> memref<80xi32, #tpu.memory_space<hbm>>
        %dma_start3A_170 = tpu.memref_slice %arg3[%add3A_168] : memref<327680xi32, #tpu.memory_space<hbm>> -> memref<80xi32, #tpu.memory_space<hbm>>
        tpu.enqueue_dma source(%dma_start3A_170 : memref<80xi32, #tpu.memory_space<hbm>>) target(%arg10 : memref<80xi32, #tpu.memory_space<vmem>>) target_semaphore(%arg17 : memref<!tpu.dma_semaphore, #tpu.memory_space<semaphore_mem>>)
      } else {
      }
      %scan3A_134 = arith.constant 0 : i32
      scf.yield %scan3A_134 : i32
    }
    %scan3A_54 = arith.constant 64 : i32
    %barrier3A_55 = arith.constant 0 : index
    tpu.barrier barrier_id(%barrier3A_55)
    %scan3A_56 = arith.constant 0 : i32
    %scan3A_57 = arith.constant 0 : i32
    %scan3A_58 = arith.constant 8 : i32
    %scan3A_59 = arith.addi %scan3A_57, %scan3A_58 : i32
    %scan3A_60 = arith.constant 1 : i32
    %scan3A_61 = scf.for %scan3A_63 = %scan3A_57 to %scan3A_59 step %scan3A_60 iter_args(%scan3A_64 = %scan3A_56) -> (i32)  : i32 {
      %mul3A_65 = arith.constant 640 : i32
      %mul3A_66 = arith.muli %arg1, %mul3A_65 : i32
      %mul3A_67 = arith.constant 80 : i32
      %mul3A_68 = arith.muli %scan3A_63, %mul3A_67 : i32
      %add3A_69 = arith.addi %mul3A_66, %mul3A_68 : i32
      "tpu.region"() ({
        %run_scoped3A = tpu.sem_alloc : memref<!tpu.dma_semaphore, #tpu.memory_space<semaphore_mem>>
        %dma_start3A_71 = arith.constant 0 : i32
        %dma_start3A_72 = tpu.memref_slice %arg15[%add3A_69, %dma_start3A_71] : memref<10240x128xf32, #tpu.memory_space<vmem_shared>> -> memref<80x128xf32, #tpu.memory_space<vmem_shared>>
        %dma_start3A_73 = arith.constant 0 : i32
        %dma_start3A_74 = tpu.memref_slice %arg15[%add3A_69, %dma_start3A_73] : memref<10240x128xf32, #tpu.memory_space<vmem_shared>> -> memref<80x128xf32, #tpu.memory_space<vmem_shared>>
        tpu.enqueue_dma source(%dma_start3A_74 : memref<80x128xf32, #tpu.memory_space<vmem_shared>>) target(%arg11 : memref<80x128xf32, #tpu.memory_space<vmem>>) target_semaphore(%run_scoped3A : memref<!tpu.dma_semaphore, #tpu.memory_space<semaphore_mem>>)
        %dma_wait3A_75 = arith.constant 0 : i32
        %dma_wait3A_76 = tpu.memref_slice %arg15[%add3A_69, %dma_wait3A_75] : memref<10240x128xf32, #tpu.memory_space<vmem_shared>> -> memref<80x128xf32, #tpu.memory_space<vmem_shared>>
        %dma_wait3A_77 = arith.constant 0 : i32
        %dma_wait3A_78 = tpu.memref_slice %arg15[%add3A_69, %dma_wait3A_77] : memref<10240x128xf32, #tpu.memory_space<vmem_shared>> -> memref<80x128xf32, #tpu.memory_space<vmem_shared>>
        tpu.wait_dma2 semaphore(%run_scoped3A : memref<!tpu.dma_semaphore, #tpu.memory_space<semaphore_mem>>) src(%dma_wait3A_78 : memref<80x128xf32, #tpu.memory_space<vmem_shared>>) dst(%arg11 : memref<80x128xf32, #tpu.memory_space<vmem>>)
        tpu.yield
      }) : () -> ()
      "tpu.region"() ({
        %run_scoped3A = tpu.sem_alloc : memref<!tpu.dma_semaphore, #tpu.memory_space<semaphore_mem>>
        %dma_start3A_71 = arith.constant 0 : i32
        %dma_start3A_72 = tpu.memref_slice %arg6[%arg0, %add3A_69, %dma_start3A_71] : memref<2x10240x128xf32, #tpu.memory_space<hbm>> -> memref<1x80x128xf32, #tpu.memory_space<hbm>>
        %dma_start3A_73 = tpu.memref_squeeze %dma_start3A_72 : memref<1x80x128xf32, #tpu.memory_space<hbm>> -> memref<80x128xf32, #tpu.memory_space<hbm>>
        %dma_start3A_74 = arith.constant 0 : i32
        %dma_start3A_75 = tpu.memref_slice %arg6[%arg0, %add3A_69, %dma_start3A_74] : memref<2x10240x128xf32, #tpu.memory_space<hbm>> -> memref<1x80x128xf32, #tpu.memory_space<hbm>>
        %dma_start3A_76 = tpu.memref_squeeze %dma_start3A_75 : memref<1x80x128xf32, #tpu.memory_space<hbm>> -> memref<80x128xf32, #tpu.memory_space<hbm>>
        tpu.enqueue_dma source(%arg11 : memref<80x128xf32, #tpu.memory_space<vmem>>) target(%dma_start3A_76 : memref<80x128xf32, #tpu.memory_space<hbm>>) target_semaphore(%run_scoped3A : memref<!tpu.dma_semaphore, #tpu.memory_space<semaphore_mem>>)
        %dma_wait3A_77 = arith.constant 0 : i32
        %dma_wait3A_78 = tpu.memref_slice %arg6[%arg0, %add3A_69, %dma_wait3A_77] : memref<2x10240x128xf32, #tpu.memory_space<hbm>> -> memref<1x80x128xf32, #tpu.memory_space<hbm>>
        %dma_wait3A_79 = tpu.memref_squeeze %dma_wait3A_78 : memref<1x80x128xf32, #tpu.memory_space<hbm>> -> memref<80x128xf32, #tpu.memory_space<hbm>>
        %dma_wait3A_80 = arith.constant 0 : i32
        %dma_wait3A_81 = tpu.memref_slice %arg6[%arg0, %add3A_69, %dma_wait3A_80] : memref<2x10240x128xf32, #tpu.memory_space<hbm>> -> memref<1x80x128xf32, #tpu.memory_space<hbm>>
        %dma_wait3A_82 = tpu.memref_squeeze %dma_wait3A_81 : memref<1x80x128xf32, #tpu.memory_space<hbm>> -> memref<80x128xf32, #tpu.memory_space<hbm>>
        tpu.wait_dma2 semaphore(%run_scoped3A : memref<!tpu.dma_semaphore, #tpu.memory_space<semaphore_mem>>) src(%arg11 : memref<80x128xf32, #tpu.memory_space<vmem>>) dst(%dma_wait3A_82 : memref<80x128xf32, #tpu.memory_space<hbm>>)
        tpu.yield
      }) : () -> ()
      %scan3A_70 = arith.constant 0 : i32
      scf.yield %scan3A_70 : i32
    }
    %scan3A_62 = arith.constant 8 : i32
    return
  }
}

module attributes {stable_mosaic.version = 14 : i64} {
  func.func @_edge_mlp_body(%arg0: i32, %arg1: memref<4096x16xf32, #tpu.memory_space<vmem>>, %arg2: memref<16x128xf32, #tpu.memory_space<vmem>>, %arg3: memref<1x128xf32, #tpu.memory_space<vmem>>, %arg4: memref<4096x128xf32, #tpu.memory_space<vmem>>) attributes {dimension_semantics = [#tpu.dimension_semantics<arbitrary>], iteration_bounds = array<i64: 80>, scalar_prefetch = 0 : i64, scratch_operands = 0 : i64, tpu.core_type = #tpu.core_type<tc>, window_params = [{transform_indices = @transform_0, window_bounds = array<i64: 4096, 16>}, {pipeline_mode = #tpu.pipeline_mode<synchronous>, transform_indices = @transform_1, window_bounds = array<i64: 16, 128>}, {pipeline_mode = #tpu.pipeline_mode<synchronous>, transform_indices = @transform_2, window_bounds = array<i64: 1, 128>}, {transform_indices = @transform_3, window_bounds = array<i64: 4096, 128>}]} {
    %get3A = arith.constant 0 : index
    %get3A_0 = arith.constant 0 : index
    %get3A_1 = vector.load %arg1[%get3A, %get3A_0] : memref<4096x16xf32, #tpu.memory_space<vmem>>, vector<4096x16xf32>
    %get3A_2 = arith.constant 0 : index
    %get3A_3 = arith.constant 0 : index
    %get3A_4 = vector.load %arg2[%get3A_2, %get3A_3] : memref<16x128xf32, #tpu.memory_space<vmem>>, vector<16x128xf32>
    %dot_general3A = arith.constant dense<0.000000e+00> : vector<4096x128xf32>
    %dot_general3A_5 = tpu.matmul %get3A_1, %get3A_4, %dot_general3A {dimension_numbers = #tpu.dot_dimension_numbers<[1], [0], [0], [1], [0, 0, 1, 1], [], []>, transpose_lhs_hint = false} : vector<4096x16xf32>, vector<16x128xf32>, vector<4096x128xf32> -> vector<4096x128xf32>
    %get3A_6 = arith.constant 0 : index
    %get3A_7 = arith.constant 0 : index
    %get3A_8 = vector.load %arg3[%get3A_6, %get3A_7] : memref<1x128xf32, #tpu.memory_space<vmem>>, vector<1x128xf32>
    %add3A = vector.broadcast %get3A_8 : vector<1x128xf32> to vector<4096x128xf32>
    %add3A_9 = arith.addf %dot_general3A_5, %add3A : vector<4096x128xf32>
    %swap3A = arith.constant 0 : index
    %swap3A_10 = arith.constant 0 : index
    %swap3A_11 = vector.load %arg4[%swap3A, %swap3A_10] : memref<4096x128xf32, #tpu.memory_space<vmem>>, vector<4096x128xf32>
    tpu.vector_store %arg4[%swap3A, %swap3A_10], %add3A_9 {strides = array<i32>} : memref<4096x128xf32, #tpu.memory_space<vmem>>, vector<4096x128xf32>,
    return
  }
  func.func @transform_0(%arg0: i32) -> (i32, i32) {
    %c0_i32 = arith.constant 0 : i32
    %c0_i32_0 = arith.constant 0 : i32
    return %arg0, %c0_i32 : i32, i32
  }
  func.func @transform_1(%arg0: i32) -> (i32, i32) {
    %c0_i32 = arith.constant 0 : i32
    %c0_i32_0 = arith.constant 0 : i32
    %c0_i32_1 = arith.constant 0 : i32
    return %c0_i32, %c0_i32_0 : i32, i32
  }
  func.func @transform_2(%arg0: i32) -> (i32, i32) {
    %c0_i32 = arith.constant 0 : i32
    %c0_i32_0 = arith.constant 0 : i32
    %c0_i32_1 = arith.constant 0 : i32
    return %c0_i32, %c0_i32_0 : i32, i32
  }
  func.func @transform_3(%arg0: i32) -> (i32, i32) {
    %c0_i32 = arith.constant 0 : i32
    %c0_i32_0 = arith.constant 0 : i32
    return %arg0, %c0_i32 : i32, i32
  }
}

module attributes {stable_mosaic.version = 14 : i64} {
  func.func @_head_body(%arg0: i32, %arg1: memref<1000x128xf32, #tpu.memory_space<vmem>>, %arg2: memref<1000x128xf32, #tpu.memory_space<vmem>>, %arg3: memref<1000x128xf32, #tpu.memory_space<vmem>>, %arg4: memref<1x1x1000xi32, #tpu.memory_space<vmem>>, %arg5: memref<128x128xf32, #tpu.memory_space<vmem>>, %arg6: memref<1x128xf32, #tpu.memory_space<vmem>>, %arg7: memref<128x128xf32, #tpu.memory_space<vmem>>, %arg8: memref<1x128xf32, #tpu.memory_space<vmem>>, %arg9: memref<128x128xf32, #tpu.memory_space<vmem>>, %arg10: memref<1x128xf32, #tpu.memory_space<vmem>>, %arg11: memref<128x256xf32, #tpu.memory_space<vmem>>, %arg12: memref<1x256xf32, #tpu.memory_space<vmem>>, %arg13: memref<256x128xf32, #tpu.memory_space<vmem>>, %arg14: memref<1x128xf32, #tpu.memory_space<vmem>>, %arg15: memref<128x128xf32, #tpu.memory_space<vmem>>, %arg16: memref<128x128xf32, #tpu.memory_space<vmem>>, %arg17: memref<128x128xf32, #tpu.memory_space<vmem>>) attributes {dimension_semantics = [#tpu.dimension_semantics<arbitrary>], iteration_bounds = array<i64: 10>, scalar_prefetch = 0 : i64, scratch_operands = 2 : i64, tpu.core_type = #tpu.core_type<tc>, window_params = [{transform_indices = @transform_0, window_bounds = array<i64: 1000, 128>}, {transform_indices = @transform_1, window_bounds = array<i64: 1000, 128>}, {transform_indices = @transform_2, window_bounds = array<i64: 1000, 128>}, {transform_indices = @transform_3, window_bounds = array<i64: 1, 1, 1000>}, {pipeline_mode = #tpu.pipeline_mode<synchronous>, transform_indices = @transform_4, window_bounds = array<i64: 128, 128>}, {pipeline_mode = #tpu.pipeline_mode<synchronous>, transform_indices = @transform_5, window_bounds = array<i64: 1, 128>}, {pipeline_mode = #tpu.pipeline_mode<synchronous>, transform_indices = @transform_6, window_bounds = array<i64: 128, 128>}, {pipeline_mode = #tpu.pipeline_mode<synchronous>, transform_indices = @transform_7, window_bounds = array<i64: 1, 128>}, {pipeline_mode = #tpu.pipeline_mode<synchronous>, transform_indices = @transform_8, window_bounds = array<i64: 128, 128>}, {pipeline_mode = #tpu.pipeline_mode<synchronous>, transform_indices = @transform_9, window_bounds = array<i64: 1, 128>}, {pipeline_mode = #tpu.pipeline_mode<synchronous>, transform_indices = @transform_10, window_bounds = array<i64: 128, 256>}, {pipeline_mode = #tpu.pipeline_mode<synchronous>, transform_indices = @transform_11, window_bounds = array<i64: 1, 256>}, {pipeline_mode = #tpu.pipeline_mode<synchronous>, transform_indices = @transform_12, window_bounds = array<i64: 256, 128>}, {pipeline_mode = #tpu.pipeline_mode<synchronous>, transform_indices = @transform_13, window_bounds = array<i64: 1, 128>}, {pipeline_mode = #tpu.pipeline_mode<synchronous>, transform_indices = @transform_14, window_bounds = array<i64: 128, 128>}]} {
    %eq3A = arith.constant 0 : i32
    %eq3A_0 = arith.cmpi eq, %arg0, %eq3A : i32
    %convert_element_type3A = arith.extui %eq3A_0 : i1 to i32
    %cond3A = arith.constant 0 : i32
    %cond3A_1 = arith.cmpi ne, %convert_element_type3A, %cond3A : i32
    scf.if %cond3A_1 {
      %broadcast_in_dim3A_64 = arith.constant 0.000000e+00 : f32
      %broadcast_in_dim3A_65 = vector.broadcast %broadcast_in_dim3A_64 : f32 to vector<128x128xf32>
      %swap3A_66 = arith.constant 0 : index
      %swap3A_67 = arith.constant 0 : index
      %swap3A_68 = vector.load %arg16[%swap3A_66, %swap3A_67] : memref<128x128xf32, #tpu.memory_space<vmem>>, vector<128x128xf32>
      tpu.vector_store %arg16[%swap3A_66, %swap3A_67], %broadcast_in_dim3A_65 {strides = array<i32>} : memref<128x128xf32, #tpu.memory_space<vmem>>, vector<128x128xf32>,
      %broadcast_in_dim3A_69 = arith.constant 0.000000e+00 : f32
      %broadcast_in_dim3A_70 = vector.broadcast %broadcast_in_dim3A_69 : f32 to vector<128x128xf32>
      %swap3A_71 = arith.constant 0 : index
      %swap3A_72 = arith.constant 0 : index
      %swap3A_73 = vector.load %arg17[%swap3A_71, %swap3A_72] : memref<128x128xf32, #tpu.memory_space<vmem>>, vector<128x128xf32>
      tpu.vector_store %arg17[%swap3A_71, %swap3A_72], %broadcast_in_dim3A_70 {strides = array<i32>} : memref<128x128xf32, #tpu.memory_space<vmem>>, vector<128x128xf32>,
    } else {
    }
    %get3A = arith.constant 0 : index
    %get3A_2 = arith.constant 0 : index
    %get3A_3 = vector.load %arg1[%get3A, %get3A_2] : memref<1000x128xf32, #tpu.memory_space<vmem>>, vector<1000x128xf32>
    %get3A_4 = arith.constant 0 : index
    %get3A_5 = arith.constant 0 : index
    %get3A_6 = vector.load %arg2[%get3A_4, %get3A_5] : memref<1000x128xf32, #tpu.memory_space<vmem>>, vector<1000x128xf32>
    %add3A = arith.addf %get3A_3, %get3A_6 : vector<1000x128xf32>
    %get3A_7 = arith.constant 0 : index
    %get3A_8 = arith.constant 0 : index
    %get3A_9 = vector.load %arg3[%get3A_7, %get3A_8] : memref<1000x128xf32, #tpu.memory_space<vmem>>, vector<1000x128xf32>
    %add3A_10 = arith.addf %add3A, %get3A_9 : vector<1000x128xf32>
    %get3A_11 = arith.constant 0 : index
    %get3A_12 = arith.constant 0 : index
    %get3A_13 = vector.load %arg5[%get3A_11, %get3A_12] : memref<128x128xf32, #tpu.memory_space<vmem>>, vector<128x128xf32>
    %dot_general3A = arith.constant dense<0.000000e+00> : vector<1000x128xf32>
    %dot_general3A_14 = tpu.matmul %add3A_10, %get3A_13, %dot_general3A {dimension_numbers = #tpu.dot_dimension_numbers<[1], [0], [0], [1], [0, 0, 1, 1], [], []>, transpose_lhs_hint = false} : vector<1000x128xf32>, vector<128x128xf32>, vector<1000x128xf32> -> vector<1000x128xf32>
    %get3A_15 = arith.constant 0 : index
    %get3A_16 = arith.constant 0 : index
    %get3A_17 = vector.load %arg6[%get3A_15, %get3A_16] : memref<1x128xf32, #tpu.memory_space<vmem>>, vector<1x128xf32>
    %add3A_18 = vector.broadcast %get3A_17 : vector<1x128xf32> to vector<1000x128xf32>
    %add3A_19 = arith.addf %dot_general3A_14, %add3A_18 : vector<1000x128xf32>
    %max3A = arith.constant 0.000000e+00 : f32
    %max3A_20 = vector.broadcast %max3A : f32 to vector<1000x128xf32>
    %max3A_21 = arith.maximumf %add3A_19, %max3A_20 : vector<1000x128xf32>
    %get3A_22 = arith.constant 0 : index
    %get3A_23 = arith.constant 0 : index
    %get3A_24 = vector.load %arg7[%get3A_22, %get3A_23] : memref<128x128xf32, #tpu.memory_space<vmem>>, vector<128x128xf32>
    %dot_general3A_25 = arith.constant dense<0.000000e+00> : vector<1000x128xf32>
    %dot_general3A_26 = tpu.matmul %max3A_21, %get3A_24, %dot_general3A_25 {dimension_numbers = #tpu.dot_dimension_numbers<[1], [0], [0], [1], [0, 0, 1, 1], [], []>, transpose_lhs_hint = false} : vector<1000x128xf32>, vector<128x128xf32>, vector<1000x128xf32> -> vector<1000x128xf32>
    %get3A_27 = arith.constant 0 : index
    %get3A_28 = arith.constant 0 : index
    %get3A_29 = vector.load %arg8[%get3A_27, %get3A_28] : memref<1x128xf32, #tpu.memory_space<vmem>>, vector<1x128xf32>
    %add3A_30 = vector.broadcast %get3A_29 : vector<1x128xf32> to vector<1000x128xf32>
    %add3A_31 = arith.addf %dot_general3A_26, %add3A_30 : vector<1000x128xf32>
    %get3A_32 = arith.constant 0 : index
    %get3A_33 = arith.constant 0 : index
    %get3A_34 = arith.constant 0 : index
    %get3A_35 = vector.load %arg4[%get3A_32, %get3A_33, %get3A_34] : memref<1x1x1000xi32, #tpu.memory_space<vmem>>, vector<1x1x1000xi32>
    %get3A_36 = vector.shape_cast %get3A_35 : vector<1x1x1000xi32> to vector<1x1000xi32>
    %iota3A = tpu.iota {dimensions = array<i32: 0>} : vector<128x1000xi32>
    %eq3A_37 = vector.broadcast %get3A_36 : vector<1x1000xi32> to vector<128x1000xi32>
    %eq3A_38 = arith.cmpi eq, %iota3A, %eq3A_37 : vector<128x1000xi32>
    %convert_element_type3A_39 = arith.extui %eq3A_38 : vector<128x1000xi1> to vector<128x1000xi32>
    %convert_element_type3A_40 = arith.sitofp %convert_element_type3A_39 : vector<128x1000xi32> to vector<128x1000xf32>
    %get3A_41 = arith.constant 0 : index
    %get3A_42 = arith.constant 0 : index
    %get3A_43 = vector.load %arg16[%get3A_41, %get3A_42] : memref<128x128xf32, #tpu.memory_space<vmem>>, vector<128x128xf32>
    %dot_general3A_44 = arith.constant dense<0.000000e+00> : vector<128x128xf32>
    %dot_general3A_45 = tpu.matmul %convert_element_type3A_40, %add3A_31, %dot_general3A_44 {dimension_numbers = #tpu.dot_dimension_numbers<[1], [0], [0], [1], [0, 0, 1, 1], [], []>, transpose_lhs_hint = false} : vector<128x1000xf32>, vector<1000x128xf32>, vector<128x128xf32> -> vector<128x128xf32>
    %add3A_46 = arith.addf %get3A_43, %dot_general3A_45 : vector<128x128xf32>
    %swap3A = arith.constant 0 : index
    %swap3A_47 = arith.constant 0 : index
    %swap3A_48 = vector.load %arg16[%swap3A, %swap3A_47] : memref<128x128xf32, #tpu.memory_space<vmem>>, vector<128x128xf32>
    tpu.vector_store %arg16[%swap3A, %swap3A_47], %add3A_46 {strides = array<i32>} : memref<128x128xf32, #tpu.memory_space<vmem>>, vector<128x128xf32>,
    %get3A_49 = arith.constant 0 : index
    %get3A_50 = arith.constant 0 : index
    %get3A_51 = vector.load %arg17[%get3A_49, %get3A_50] : memref<128x128xf32, #tpu.memory_space<vmem>>, vector<128x128xf32>
    %broadcast_in_dim3A = arith.constant 1.000000e+00 : f32
    %broadcast_in_dim3A_52 = vector.broadcast %broadcast_in_dim3A : f32 to vector<1000x128xf32>
    %dot_general3A_53 = arith.constant dense<0.000000e+00> : vector<128x128xf32>
    %dot_general3A_54 = tpu.matmul %convert_element_type3A_40, %broadcast_in_dim3A_52, %dot_general3A_53 {dimension_numbers = #tpu.dot_dimension_numbers<[1], [0], [0], [1], [0, 0, 1, 1], [], []>, transpose_lhs_hint = false} : vector<128x1000xf32>, vector<1000x128xf32>, vector<128x128xf32> -> vector<128x128xf32>
    %add3A_55 = arith.addf %get3A_51, %dot_general3A_54 : vector<128x128xf32>
    %swap3A_56 = arith.constant 0 : index
    %swap3A_57 = arith.constant 0 : index
    %swap3A_58 = vector.load %arg17[%swap3A_56, %swap3A_57] : memref<128x128xf32, #tpu.memory_space<vmem>>, vector<128x128xf32>
    tpu.vector_store %arg17[%swap3A_56, %swap3A_57], %add3A_55 {strides = array<i32>} : memref<128x128xf32, #tpu.memory_space<vmem>>, vector<128x128xf32>,
    %eq3A_59 = arith.constant 9 : i32
    %eq3A_60 = arith.cmpi eq, %arg0, %eq3A_59 : i32
    %convert_element_type3A_61 = arith.extui %eq3A_60 : i1 to i32
    %cond3A_62 = arith.constant 0 : i32
    %cond3A_63 = arith.cmpi ne, %convert_element_type3A_61, %cond3A_62 : i32
    scf.if %cond3A_63 {
      %get3A_64 = arith.constant 0 : index
      %get3A_65 = arith.constant 0 : index
      %get3A_66 = vector.load %arg16[%get3A_64, %get3A_65] : memref<128x128xf32, #tpu.memory_space<vmem>>, vector<128x128xf32>
      %get3A_67 = arith.constant 0 : index
      %get3A_68 = arith.constant 0 : index
      %get3A_69 = vector.load %arg17[%get3A_67, %get3A_68] : memref<128x128xf32, #tpu.memory_space<vmem>>, vector<128x128xf32>
      %max3A_70 = arith.constant 1.000000e+00 : f32
      %max3A_71 = vector.broadcast %max3A_70 : f32 to vector<128x128xf32>
      %max3A_72 = arith.maximumf %get3A_69, %max3A_71 : vector<128x128xf32>
      %div3A = arith.divf %get3A_66, %max3A_72 : vector<128x128xf32>
      %get3A_73 = arith.constant 0 : index
      %get3A_74 = arith.constant 0 : index
      %get3A_75 = vector.load %arg9[%get3A_73, %get3A_74] : memref<128x128xf32, #tpu.memory_space<vmem>>, vector<128x128xf32>
      %dot_general3A_76 = arith.constant dense<0.000000e+00> : vector<128x128xf32>
      %dot_general3A_77 = tpu.matmul %div3A, %get3A_75, %dot_general3A_76 {dimension_numbers = #tpu.dot_dimension_numbers<[1], [0], [0], [1], [0, 0, 1, 1], [], []>, transpose_lhs_hint = false} : vector<128x128xf32>, vector<128x128xf32>, vector<128x128xf32> -> vector<128x128xf32>
      %get3A_78 = arith.constant 0 : index
      %get3A_79 = arith.constant 0 : index
      %get3A_80 = vector.load %arg10[%get3A_78, %get3A_79] : memref<1x128xf32, #tpu.memory_space<vmem>>, vector<1x128xf32>
      %add3A_81 = vector.broadcast %get3A_80 : vector<1x128xf32> to vector<128x128xf32>
      %add3A_82 = arith.addf %dot_general3A_77, %add3A_81 : vector<128x128xf32>
      %max3A_83 = arith.constant 0.000000e+00 : f32
      %max3A_84 = vector.broadcast %max3A_83 : f32 to vector<128x128xf32>
      %max3A_85 = arith.maximumf %add3A_82, %max3A_84 : vector<128x128xf32>
      %get3A_86 = arith.constant 0 : index
      %get3A_87 = arith.constant 0 : index
      %get3A_88 = vector.load %arg11[%get3A_86, %get3A_87] : memref<128x256xf32, #tpu.memory_space<vmem>>, vector<128x256xf32>
      %dot_general3A_89 = arith.constant dense<0.000000e+00> : vector<128x256xf32>
      %dot_general3A_90 = tpu.matmul %max3A_85, %get3A_88, %dot_general3A_89 {dimension_numbers = #tpu.dot_dimension_numbers<[1], [0], [0], [1], [0, 0, 1, 1], [], []>, transpose_lhs_hint = false} : vector<128x128xf32>, vector<128x256xf32>, vector<128x256xf32> -> vector<128x256xf32>
      %get3A_91 = arith.constant 0 : index
      %get3A_92 = arith.constant 0 : index
      %get3A_93 = vector.load %arg12[%get3A_91, %get3A_92] : memref<1x256xf32, #tpu.memory_space<vmem>>, vector<1x256xf32>
      %add3A_94 = vector.broadcast %get3A_93 : vector<1x256xf32> to vector<128x256xf32>
      %add3A_95 = arith.addf %dot_general3A_90, %add3A_94 : vector<128x256xf32>
      %max3A_96 = arith.constant 0.000000e+00 : f32
      %max3A_97 = vector.broadcast %max3A_96 : f32 to vector<128x256xf32>
      %max3A_98 = arith.maximumf %add3A_95, %max3A_97 : vector<128x256xf32>
      %get3A_99 = arith.constant 0 : index
      %get3A_100 = arith.constant 0 : index
      %get3A_101 = vector.load %arg13[%get3A_99, %get3A_100] : memref<256x128xf32, #tpu.memory_space<vmem>>, vector<256x128xf32>
      %dot_general3A_102 = arith.constant dense<0.000000e+00> : vector<128x128xf32>
      %dot_general3A_103 = tpu.matmul %max3A_98, %get3A_101, %dot_general3A_102 {dimension_numbers = #tpu.dot_dimension_numbers<[1], [0], [0], [1], [0, 0, 1, 1], [], []>, transpose_lhs_hint = false} : vector<128x256xf32>, vector<256x128xf32>, vector<128x128xf32> -> vector<128x128xf32>
      %get3A_104 = arith.constant 0 : index
      %get3A_105 = arith.constant 0 : index
      %get3A_106 = vector.load %arg14[%get3A_104, %get3A_105] : memref<1x128xf32, #tpu.memory_space<vmem>>, vector<1x128xf32>
      %add3A_107 = vector.broadcast %get3A_106 : vector<1x128xf32> to vector<128x128xf32>
      %add3A_108 = arith.addf %dot_general3A_103, %add3A_107 : vector<128x128xf32>
      %swap3A_109 = arith.constant 0 : index
      %swap3A_110 = arith.constant 0 : index
      %swap3A_111 = vector.load %arg15[%swap3A_109, %swap3A_110] : memref<128x128xf32, #tpu.memory_space<vmem>>, vector<128x128xf32>
      tpu.vector_store %arg15[%swap3A_109, %swap3A_110], %add3A_108 {strides = array<i32>} : memref<128x128xf32, #tpu.memory_space<vmem>>, vector<128x128xf32>,
    } else {
    }
    return
  }
  func.func @transform_0(%arg0: i32) -> (i32, i32) {
    %c0_i32 = arith.constant 0 : i32
    %c0_i32_0 = arith.constant 0 : i32
    return %arg0, %c0_i32 : i32, i32
  }
  func.func @transform_1(%arg0: i32) -> (i32, i32) {
    %c0_i32 = arith.constant 0 : i32
    %c0_i32_0 = arith.constant 0 : i32
    return %arg0, %c0_i32 : i32, i32
  }
  func.func @transform_2(%arg0: i32) -> (i32, i32) {
    %c0_i32 = arith.constant 0 : i32
    %c0_i32_0 = arith.constant 0 : i32
    return %arg0, %c0_i32 : i32, i32
  }
  func.func @transform_3(%arg0: i32) -> (i32, i32, i32) {
    %c0_i32 = arith.constant 0 : i32
    %c0_i32_0 = arith.constant 0 : i32
    %c0_i32_1 = arith.constant 0 : i32
    return %arg0, %c0_i32, %c0_i32_0 : i32, i32, i32
  }
  func.func @transform_4(%arg0: i32) -> (i32, i32) {
    %c0_i32 = arith.constant 0 : i32
    %c0_i32_0 = arith.constant 0 : i32
    %c0_i32_1 = arith.constant 0 : i32
    return %c0_i32, %c0_i32_0 : i32, i32
  }
  func.func @transform_5(%arg0: i32) -> (i32, i32) {
    %c0_i32 = arith.constant 0 : i32
    %c0_i32_0 = arith.constant 0 : i32
    %c0_i32_1 = arith.constant 0 : i32
    return %c0_i32, %c0_i32_0 : i32, i32
  }
  func.func @transform_6(%arg0: i32) -> (i32, i32) {
    %c0_i32 = arith.constant 0 : i32
    %c0_i32_0 = arith.constant 0 : i32
    %c0_i32_1 = arith.constant 0 : i32
    return %c0_i32, %c0_i32_0 : i32, i32
  }
  func.func @transform_7(%arg0: i32) -> (i32, i32) {
    %c0_i32 = arith.constant 0 : i32
    %c0_i32_0 = arith.constant 0 : i32
    %c0_i32_1 = arith.constant 0 : i32
    return %c0_i32, %c0_i32_0 : i32, i32
  }
  func.func @transform_8(%arg0: i32) -> (i32, i32) {
    %c0_i32 = arith.constant 0 : i32
    %c0_i32_0 = arith.constant 0 : i32
    %c0_i32_1 = arith.constant 0 : i32
    return %c0_i32, %c0_i32_0 : i32, i32
  }
  func.func @transform_9(%arg0: i32) -> (i32, i32) {
    %c0_i32 = arith.constant 0 : i32
    %c0_i32_0 = arith.constant 0 : i32
    %c0_i32_1 = arith.constant 0 : i32
    return %c0_i32, %c0_i32_0 : i32, i32
  }
  func.func @transform_10(%arg0: i32) -> (i32, i32) {
    %c0_i32 = arith.constant 0 : i32
    %c0_i32_0 = arith.constant 0 : i32
    %c0_i32_1 = arith.constant 0 : i32
    return %c0_i32, %c0_i32_0 : i32, i32
  }
  func.func @transform_11(%arg0: i32) -> (i32, i32) {
    %c0_i32 = arith.constant 0 : i32
    %c0_i32_0 = arith.constant 0 : i32
    %c0_i32_1 = arith.constant 0 : i32
    return %c0_i32, %c0_i32_0 : i32, i32
  }
  func.func @transform_12(%arg0: i32) -> (i32, i32) {
    %c0_i32 = arith.constant 0 : i32
    %c0_i32_0 = arith.constant 0 : i32
    %c0_i32_1 = arith.constant 0 : i32
    return %c0_i32, %c0_i32_0 : i32, i32
  }
  func.func @transform_13(%arg0: i32) -> (i32, i32) {
    %c0_i32 = arith.constant 0 : i32
    %c0_i32_0 = arith.constant 0 : i32
    %c0_i32_1 = arith.constant 0 : i32
    return %c0_i32, %c0_i32_0 : i32, i32
  }
  func.func @transform_14(%arg0: i32) -> (i32, i32) {
    %c0_i32 = arith.constant 0 : i32
    %c0_i32_0 = arith.constant 0 : i32
    %c0_i32_1 = arith.constant 0 : i32
    return %c0_i32, %c0_i32_0 : i32, i32
  }
}

</mosaic_0001>

<sc_bundles>
// kernel: kernel.5.cloned.1.call-start
scs
__scs_entry_jumppad:
0x0: {  	(pc) =	sbr.rel $0x88, $3  }
0x1: {  	(tag) =	ssettag $0x0;
	lr =	simm.s32 $0x1  }
0x2: {  	[smem:$0x3F91] =	sst lr;
	_ =	strace $0xD0000000  }
0x3: {  	_ = 	snop  }
0x4: {  	_ = 	snop  }
0x5: {  	_ = 	snop  }
0x6: {  	_ = 	snop  }
0x7: {  	_ = 	snop  }
__scs_overlays_trampoline_lowered:
0x8: {  	[smem:$0x3FA0] =	sst s0  }
0x9: {  	[smem:$0x3FA1] =	sst s1  }
0xa: {  	[smem:$0x3FA2] =	sst s2  }
0xb: {  	[smem:$0x3FA3] =	sst s3  }
0xc: {  	[smem:$0x3FA4] =	sst s4  }
0xd: {  	[smem:$0x3FA5] =	sst s5  }
0xe: {  	[smem:$0x3FA6] =	sst s6  }
0xf: {  	[smem:$0x3FA7] =	sst s7  }
0x10: {  	[smem:$0x3FA8] =	sst s8  }
0x11: {  	[smem:$0x3FA9] =	sst s9;
	s0 =	simm.s32 @!p0 $0x0  }
0x12: {  	s1 =	sld [smem:$0x3F8F];
	s0 =	simm.s32 @p0 $0x1  }
0x13: {  	[smem:$0x3FAA] =	sst s0;
	s0 =	simm.s32 @!p1 $0x0  }
0x14: {  	s2 =	sld [smem:$0x3F8E];
	s0 =	simm.s32 @p1 $0x1  }
0x15: {  	[smem:$0x3FAB] =	sst s0;
	s0 =	simm.s32 @!p2 $0x0  }
0x16: {  	s3 =	sld [smem:$0x3FDB];
	s0 =	simm.s32 @p2 $0x1  }
0x17: {  	s4 =	simm.s32 $0x1BF5;
	[smem:$0x3FAD] =	sst s0  }
0x18: {  	s0 =	sld [smem:$0x3F90];
	_ =	swait.ge [sflag:s4], $0x0  }
0x19: {  	s7 =	sld [smem:$0x3F91]  }
0x1a: {  	s8 =	sadd.s32 $0xFFFFE003, lr  }
0x1b: {  	s9 =	sadd.s32 $0xFFFFFEF7, lr;
	s5 =	simm.s32 $0xFFFFFFFF;
	p2 =	slt.u32 s8, $0xFFFFF086  }
0x1c: {  	p1 =	slt.u32 s9, $0xF7A;
	s5 =	simm.s32 @!p2 $0x0  }
0x1d: {  	s5 =	simm.s32 @p1 $0x1;
	p0 =	seq.s32 s7, s2  }
0x1e: {  	s7 =	smul.u32 @!p0 $0xF7A, s2;
	p2 =	seq.s32 @!p0 s5, $0x0  }
0x1f: {  	s9 =	smul.u32 $0xF7A, s1;
	s8 =	simm.s32 @!p0 $0x1BF5;
	p2 =	por !p2, p0  }
0x20: {  	[sflag:s8] =	ssyncset.s32 @!p0 $0xFFFFF086;
	s6 =	sadd.s32 @!p0 s3, s7;
	s7 =	simm.s32 @!p0 $0x108  }
0x21: {  	s3 =	sadd.s32 s3, s9;
	s6 =	sadd.s32 @!p0 $0x88, s6;
	s7 =	simm.s32 @p2 $0x1082  }
0x22: {  	[simem:s7], [sflag:s8] =	dma.local @!p0 [hbm:s6], $0xF7A  }
0x23: {  	s9 =	sor.u32 $0xD0000000, s2;
	s6 =	simm.s32 $0x108;
	_ =	swait.ge @!p0 [sflag:s8], $0x0  }
0x24: {  	s3 =	sadd.s32 $0x88, s3;
	s6 =	simm.s32 @!p1 $0x1082;
	[sflag:s4] =	ssyncset.s32 $0xFFFFF086  }
0x25: {  	[simem:s6], [sflag:s4] =	dma.local [hbm:s3], $0xF7A  }
0x26: {  	[smem:$0x3F91] =	sst s1;
	(tag) =	ssettag s2;
	_ =	strace s9  }
0x27: {  	s1 =	sld [smem:$0x3FA1]  }
0x28: {  	s2 =	sld [smem:$0x3FA2]  }
0x29: {  	s4 =	sld [smem:$0x3FA4]  }
0x2a: {  	p0 =	seq.s32 s5, $0x0;
	s5 =	sld [smem:$0x3FA5]  }
0x2b: {  	s6 =	sld [smem:$0x3FA6]  }
0x2c: {  	s7 =	sld [smem:$0x3FA7]  }
0x2d: {  	s3 =	simm.s32 $0x108;
	s8 =	sld [smem:$0x3FA8]  }
0x2e: {  	s3 =	simm.s32 @!p0 $0x1082;
	s9 =	sld [smem:$0x3FA9]  }
0x2f: {  	lr =	sadd.s32 s0, s3;
	s0 =	sld [smem:$0x3FA0]  }
0x30: {  	s3 =	sld [smem:$0x3FA3]  }
0x31: {  	[smem:$0x3FAC] =	sst s10  }
0x32: {  	s10 =	sld [smem:$0x3FAA];
	_ =	sdelay $0x3  }
0x33: {  	p0 =	seq.s32 s10, $0x1;
	s10 =	sld [smem:$0x3FAC];
	_ =	sdelay $0x3  }
0x34: {  	[smem:$0x3FAC] =	sst s10  }
0x35: {  	s10 =	sld [smem:$0x3FAB];
	_ =	sdelay $0x3  }
0x36: {  	p1 =	seq.s32 s10, $0x1;
	s10 =	sld [smem:$0x3FAC];
	_ =	sdelay $0x3  }
0x37: {  	[smem:$0x3FAC] =	sst s10  }
0x38: {  	s10 =	sld [smem:$0x3FAD]  }
0x39: {  	_ = 	snop;
	(pc) =	sbr.ind lr, $3  }
0x3a: {  	_ = 	snop  }
0x3b: {  	_ = 	snop  }
0x3c: {  	p2 =	seq.s32 s10, $0x1;
	s10 =	sld [smem:$0x3FAC]  }
0x3d: {  	_ =	shalt  }
0x3e: {  	_ =	shalt  }
0x3f: {  	_ =	shalt  }
0x40: {  	_ =	shalt  }
0x41: {  	_ =	shalt  }
0x42: {  	_ =	shalt  }
0x43: {  	_ =	shalt  }
0x44: {  	_ =	shalt  }
0x45: {  	_ =	shalt  }
0x46: {  	_ =	shalt  }
0x47: {  	_ =	shalt  }
0x48: {  	_ =	shalt  }
0x49: {  	_ =	shalt  }
0x4a: {  	_ =	shalt  }
0x4b: {  	_ =	shalt  }
0x4c: {  	_ =	shalt  }
0x4d: {  	_ =	shalt  }
0x4e: {  	_ =	shalt  }
0x4f: {  	_ =	shalt  }
0x50: {  	_ =	shalt  }
0x51: {  	_ =	shalt  }
0x52: {  	_ =	shalt  }
0x53: {  	_ =	shalt  }
0x54: {  	_ =	shalt  }
0x55: {  	_ =	shalt  }
0x56: {  	_ =	shalt  }
0x57: {  	_ =	shalt  }
0x58: {  	_ =	shalt  }
0x59: {  	_ =	shalt  }
0x5a: {  	_ =	shalt  }
0x5b: {  	_ =	shalt  }
0x5c: {  	_ =	shalt  }
0x5d: {  	_ =	shalt  }
0x5e: {  	_ =	shalt  }
0x5f: {  	_ =	shalt  }
0x60: {  	_ =	shalt  }
0x61: {  	_ =	shalt  }
0x62: {  	_ =	shalt  }
0x63: {  	_ =	shalt  }
0x64: {  	_ =	shalt  }
0x65: {  	_ =	shalt  }
0x66: {  	_ =	shalt  }
0x67: {  	_ =	shalt  }
0x68: {  	_ =	shalt  }
0x69: {  	_ =	shalt  }
0x6a: {  	_ =	shalt  }
0x6b: {  	_ =	shalt  }
0x6c: {  	_ =	shalt  }
0x6d: {  	_ =	shalt  }
0x6e: {  	_ =	shalt  }
0x6f: {  	_ =	shalt  }
0x70: {  	_ =	shalt  }
0x71: {  	_ =	shalt  }
0x72: {  	_ =	shalt  }
0x73: {  	_ =	shalt  }
0x74: {  	_ =	shalt  }
0x75: {  	_ =	shalt  }
0x76: {  	_ =	shalt  }
0x77: {  	_ =	shalt  }
0x78: {  	_ =	shalt  }
0x79: {  	_ =	shalt  }
0x7a: {  	_ =	shalt  }
0x7b: {  	_ =	shalt  }
0x7c: {  	_ =	shalt  }
0x7d: {  	_ =	shalt  }
0x7e: {  	_ =	shalt  }
0x7f: {  	_ =	shalt  }
0x80: {  	_ =	shalt  }
0x81: {  	_ =	shalt  }
0x82: {  	_ =	shalt  }
0x83: {  	_ =	shalt  }
0x84: {  	_ =	shalt  }
0x85: {  	_ =	shalt  }
0x86: {  	_ =	shalt  }
0x87: {  	_ =	shalt  }
.Lfunc_end0:
.L_simem_size_0:
called_computation_lowered:
.L_overlay_start_0:
0x88: {  	s2 =	sld [smem:$0x3FD9]  }
0x89: {  	s3 =	sld [smem:$0x3FFE];
	_ =	sdelay $0x1  }
0x8a: {  	s1 =	srdreg.scid  }
0x8b: {  	s0 =	sand.u32 $0x1, s1  }
0x8c: {  	s17 =	sshll.u32 s0, $0xA;
	s2 =	sadd.s32 s3, s2  }
0x8d: {  	s2 =	sadd.s32 s2, s17  }
0x8e: {  	[smem:$0x3FB8] =	sst s2  }
0x8f: {  	_ = 	snop  }
0x90: {  	s2 =	sld [smem:$0x3FC9];
	(tm) =	ssettm $0x1  }
0x91: {  	s18 =	sld [smem:$0x3FFB];
	_ =	sdelay $0x3  }
0x92: {  	_ =	strace s18  }
0x93: {  	s3 =	sld [smem:$0x3FFC];
	_ =	sdelay $0x3  }
0x94: {  	_ =	strace s3  }
0x95: {  	s3 =	sld [smem:$0x3FFD];
	_ =	sdelay $0x3  }
0x96: {  	_ =	strace s3  }
0x97: {  	_ =	strace $0x8FFFFFFF  }
0x98: {  	s19 =	sld [smem:$0x3FDB];
	_ =	sdelay $0x1  }
0x99: {  	s4 =	simm.s32 $_scs_section_size  }
0x9a: {  	s5 =	simm.s32 $_size__tile_overlayer_lowered;
	s6 =	simm.s32 $_tile_overlayer_lowered  }
0x9b: {  	s22 =	simm.s32 $0x1BFF;
	s21 =	sshll.u32 s6, $0x1;
	s3 =	sadd.s32 s4, s19  }
0x9c: {  	s7 =	simm.s32 $0x0;
	s20 =	sshll.u32 s5, $0x1;
	s5 =	sadd.s32 s21, s3  }
0x9d: {  	[timem:s7], [sflag:s22] =	dma.local [hbm:s5], s20  }
0x9e: {  	_ =	swait.ge [sflag:s22], s20  }
0x9f: {  	s4 =	ssub.s32 $0x0, s20;
	[sflag:s22] =	ssyncset.done $0x0  }
0xa0: {  	[sflag:s22] =	ssyncadd.s32 s4;
	_ =	sdelay $0x1  }
0xa1: {  	s23 =	simm.s32 $0x1B8B  }
0xa2: {  	_ =	swait.ge [sflag:s23], $0x1  }
0xa3: {  	[sflag:s23] =	ssyncset.done $0x0  }
0xa4: {  	s25 =	simm.s32 $0x1B8E;
	s24 =	sld [smem:$0x3FFE];
	[sflag:s23] =	ssyncadd.s32 $0xFFFFFFFF  }
0xa5: {  	s26 =	simm.s32 $execute0_lowered;
	[smem:$0x3FD2] =	sst s25  }
0xa6: {  	s5 =	sshll.u32 s26, $0x1;
	_ =	strace $0x80000046;
	[dreg:$0x1] =	wrdreg $0xFFFFFFFF  }
0xa7: {  	s28 =	simm.s32 $_size_execute0_lowered;
	s3 =	sadd.s32 s3, s5;
	[dreg:$0x0] =	wrdreg $0x0  }
0xa8: {  	s5 =	sshll.u32 s28, $0x1;
	[dreg:$0x2] =	wrdreg s3  }
0xa9: {  	[dreg:$0x3] =	wrdreg s5  }
0xaa: {  	[dreg:$0x4] =	wrdreg $0xC0  }
0xab: {  	_ =	task [dreg:s7], $0x5FFFF  }
0xac: {  	[dreg:$0x1] =	wrdreg $0xFFFFFFFF  }
0xad: {  	[dreg:$0x0] =	wrdreg $0x60  }
0xae: {  	[dreg:$0x2] =	wrdreg s24  }
0xaf: {  	[dreg:$0x3] =	wrdreg s2  }
0xb0: {  	[dreg:$0x4] =	wrdreg $0xA2000  }
0xb1: {  	[dreg:$0x5] =	wrdreg $0x9  }
0xb2: {  	_ =	task.clear_ibuf [dreg:s7], $0x6FFFF;
	_ =	strace $0x90000046  }
0xb3: {  	s29 =	simm.s32 $0x9;
	_ =	strace $0x80000048  }
0xb4: {  	_ =	swait.ge [sflag:s29], $0x1  }
0xb5: {  	[sflag:s29] =	ssyncadd.s32 $0xFFFFFFFF  }
0xb6: {  	_ =	strace $0x90000048  }
0xb7: {  	_ =	sfence  }
0xb8: {  	s30 =	sld [smem:$0x0];
	_ =	sdelay $0x2  }
0xb9: {  	s31 =	sshll.u32 s1, $0xD;
	s1 =	sshrl.u32 s1, $0x2  }
0xba: {  	s3 =	sand.u32 $0x4000, s31;
	s1 =	sadd.s32 s1, s30  }
0xbb: {  	s0 =	sor.u32 s3, s0;
	s1 =	sshll.u32 s1, $0x11  }
0xbc: {  	s0 =	sor.u32 s1, s0  }
0xbd: {  	s0 =	sadd.s32 $0x8F2B, s0  }
0xbe: {  	[sflag:s0] =	ssyncadd.remote.s32 $0x1  }
0xbf: {  	_ =	sfence.sel $0xFFFF  }
0xc0: {  	[dreg:$0x0] =	wrdreg $0xFFFFFFFF;
	(pc) =	sbr.abs _section_cstart, $3  }
0xc1: {  	[dreg:$0x1] =	wrdreg $0xFFFFFFFF  }
0xc2: {  	_ =	task.clear_ibuf [dreg:s7], $0x2FFFF;
	_ =	strace $0x9FFFFFFF  }
0xc3: {  	(tm) =	ssettm $0x7FFFFFFF  }
tec
execute0_lowered:
.L_overlay_start_1:
0x0: {  	(tag) =	ssettag $0x1  }
0x1: {  	s0 =	rddreg [dreg:$0x0]  }
0x2: {  	s1 =	rddreg [dreg:$0x1]  }
0x3: {  	s2 =	rddreg [dreg:$0x2];
	s3 =	simm.s32 $0x0;
	s4 =	srdreg.scid  }
0x4: {  	s20 =	stileid.u32;
	[smem:$0x7FF] =	sst s3  }
0x5: {  	s5 =	sadd.s32 $0x4EE000, s0;
	s4 =	sand.u32 $0x1, s4;
	s9 =	smul.u32 $0x14000, s20  }
0x6: {  	s10 =	sadd.s32 $0x2000, s0;
	_ =	strace $0x80000047;
	s6 =	ssub.s32 $0x2, s4  }
0x7: {  	s7 =	sshll.u32 s4, $0x4;
	s4 =	smul.u32 $0x140000, s4;
	s8 =	sshrl.u32 s6, $0x1  }
0x8: {  	s7 =	sor.u32 s20, s7;
	s11 =	sor.u32 $0x2800, s9;
	s12 =	sadd.s32 $0x5000, s9  }
0x9: {  	s13 =	sadd.s32 $0x7800, s9;
	s16 =	sadd.s32 $0xA000, s9;
	s17 =	sadd.s32 $0xC800, s9  }
0xa: {  	s18 =	sadd.s32 $0xF000, s9;
	s6 =	ssub.s32 s6, s8;
	s8 =	smul.u32 $0x2800, s7  }
0xb: {  	s14 =	sadd.s32 s4, s9;
	s15 =	sadd.s32 s4, s11;
	s9 =	sadd.s32 $0x11800, s9  }
0xc: {  	s25 =	sadd.s32 s4, s12;
	s26 =	sadd.s32 s4, s13;
	s19 =	sadd.s32 s4, s16  }
0xd: {  	s21 =	sadd.s32 s4, s17;
	s22 =	sadd.s32 s4, s18;
	s31 =	sadd.s32 s11, s2  }
0xe: {  	s11 =	simm.s32 $0x2A00;
	s14 =	sshrl.u32 s14, $0x3;
	s15 =	sshrl.u32 s15, $0x3  }
0xf: {  	s28 =	sshrl.u32 s26, $0x3;
	s29 =	sshrl.u32 s19, $0x3;
	s4 =	sadd.s32 s4, s9  }
0x10: {  	s23 =	sshrl.u32 s22, $0x3;
	[dreg:$0x12] =	wrdreg s31;
	s14 =	sadd.s32 s10, s14  }
0x11: {  	s24 =	sadd.s32 s10, s15;
	s19 =	sadd.s32 s10, s29;
	s4 =	sshrl.u32 s4, $0x3  }
0x12: {  	s15 =	sadd.s32 $0x9F8000, s0;
	s29 =	smul.u32 $0x50000, s20;
	[dreg:$0x4] =	wrdreg s14  }
0x13: {  	s22 =	sor.u32 $0xA0, s8;
	s20 =	sadd.s32 s12, s2;
	[dreg:$0x5] =	wrdreg s24  }
0x14: {  	s12 =	simm.s32 $0x100;
	s14 =	sshrl.u32 s25, $0x3;
	[dreg:$0x8] =	wrdreg s19  }
0x15: {  	s4 =	sadd.s32 s10, s4;
	s24 =	smul.u32 $0x28000, s7;
	[dreg:$0x13] =	wrdreg s20  }
0x16: {  	s25 =	sshrl.u32 s8, $0x3;
	s19 =	smax.u32 s6, $0x1;
	[dreg:$0xb] =	wrdreg s4  }
0x17: {  	s6 =	simm.s32 $0x200;
	s14 =	sadd.s32 s10, s14;
	[dreg:$0x11] =	wrdreg s19  }
0x18: {  	s20 =	simm.s32 $0x5;
	s26 =	sadd.s32 s5, s25;
	[dreg:$0x6] =	wrdreg s14  }
0x19: {  	s19 =	simm.s32 $0x3;
	s14 =	sadd.s32 s10, s28;
	[dreg:$0xc] =	wrdreg s26  }
0x1a: {  	s28 =	sor.u32 $0xA, s25;
	s26 =	sadd.s32 s17, s2;
	s17 =	simm.s32 $0x5200  }
0x1b: {  	[dreg:$0x7] =	wrdreg s14;
	s14 =	sshrl.u32 s21, $0x3;
	s21 =	sor.u32 $0x50, s8  }
0x1c: {  	[dreg:$0x16] =	wrdreg s26;
	s26 =	simm.s32 $0x0;
	s14 =	sadd.s32 s10, s14  }
0x1d: {  	[dreg:$0x9] =	wrdreg s14;
	s14 =	sadd.s32 s10, s23;
	s10 =	sshrl.u32 s29, $0x2  }
0x1e: {  	s23 =	sor.u32 $0xF0, s8;
	s29 =	sadd.s32 s9, s2;
	s8 =	simm.s32 $0x80  }
0x1f: {  	s9 =	simm.s32 $0x1;
	[dreg:$0xa] =	wrdreg s14;
	s14 =	sadd.s32 $0x4E4000, s0  }
0x20: {  	s0 =	sadd.s32 s15, s24;
	s30 =	sadd.s32 s10, s2;
	[dreg:$0x18] =	wrdreg s29  }
0x21: {  	s24 =	sadd.s32 s13, s2;
	s10 =	simm.s32 $0x50;
	[dreg:$0xe] =	wrdreg s0  }
0x22: {  	s13 =	simm.s32 $0x180;
	s4 =	sadd.s32 s14, s25;
	[dreg:$0x14] =	wrdreg s24  }
.Ltmp0:
0x23: {  	s7 =	sadd.s32 s14, s28;
	[dreg:$0xd] =	wrdreg s4;
	(pc) =	sbr.rel .LBB2_1-.Ltmp0, $4  }
0x24: {  	s25 =	sadd.s32 s16, s2;
	s16 =	simm.s32 $0x2;
	[dreg:$0x10] =	wrdreg s7  }
0x25: {  	s24 =	simm.s32 $0x6;
	s4 =	sadd.s32 s5, s28;
	[dreg:$0x15] =	wrdreg s25  }
0x26: {  	s28 =	sadd.s32 s18, s2;
	s7 =	simm.s32 $0x7;
	[dreg:$0xf] =	wrdreg s4  }
0x27: {  	v0 =	vimm.f32 $0.0e+00;
	s18 =	simm.s32 $0x7A00;
	s25 =	simm.s32 $0x4;
	[dreg:$0x17] =	wrdreg s28  }
.LBB2_10:
0x28: {  	[bflag:$0x0] =	sbarrier.arrive $0xFFFF  }
0x29: {  	[tilespmem:s6], [sflag:$0x7] =	stream.linear.gather [spmem:s4], $0x2800, $0x38;
	[tilespmem:$0x1E200] =	vst v63  }
0x2a: {  	_ =	swait.ge [sflag:s7], $0x2800  }
0x2b: {  	[sflag:s7] =	ssyncset.done $0x0  }
0x2c: {  	s0 =	rddreg [dreg:$0x4];
	[sflag:s7] =	ssyncadd.s32 $0xFFFFD800  }
0x2d: {  	[hbm4b:s0+s3] =	stream.linear.scatter [tilespmem:s6], [sflag:$0x7], $0x2800, $0x38;
	[tilespmem:$0x1E200] =	vst v63  }
0x2e: {  	_ =	swait.ge [sflag:s7], $0x2800  }
0x2f: {  	[sflag:s7] =	ssyncset.done $0x0  }
0x30: {  	s31 =	rddreg [dreg:$0x12];
	[sflag:s7] =	ssyncadd.s32 $0xFFFFD800  }
0x31: {  	[tilespmem:s6], [sflag:$0x7] =	stream.linear.gather [spmem:s31], $0x2800, $0x38;
	[tilespmem:$0x1E200] =	vst v63  }
0x32: {  	_ =	swait.ge [sflag:s7], $0x2800  }
0x33: {  	[sflag:s7] =	ssyncset.done $0x0  }
0x34: {  	s28 =	rddreg [dreg:$0x5];
	[sflag:s7] =	ssyncadd.s32 $0xFFFFD800  }
0x35: {  	[hbm4b:s28+s3] =	stream.linear.scatter [tilespmem:s6], [sflag:$0x7], $0x2800, $0x38;
	[tilespmem:$0x1E200] =	vst v63  }
0x36: {  	_ =	swait.ge [sflag:s7], $0x2800  }
0x37: {  	[sflag:s7] =	ssyncset.done $0x0  }
0x38: {  	s29 =	rddreg [dreg:$0x13];
	[sflag:s7] =	ssyncadd.s32 $0xFFFFD800  }
0x39: {  	[tilespmem:s6], [sflag:$0x7] =	stream.linear.gather [spmem:s29], $0x2800, $0x38;
	[tilespmem:$0x1E200] =	vst v63  }
0x3a: {  	_ =	swait.ge [sflag:s7], $0x2800  }
0x3b: {  	[sflag:s7] =	ssyncset.done $0x0  }
0x3c: {  	s30 =	smov.u32 s4;
	s4 =	rddreg [dreg:$0x6];
	[sflag:s7] =	ssyncadd.s32 $0xFFFFD800  }
0x3d: {  	[hbm4b:s4+s3] =	stream.linear.scatter [tilespmem:s6], [sflag:$0x7], $0x2800, $0x38;
	[tilespmem:$0x1E200] =	vst v63  }
0x3e: {  	_ =	swait.ge [sflag:s7], $0x2800  }
0x3f: {  	[sflag:s7] =	ssyncset.done $0x0  }
0x40: {  	s28 =	rddreg [dreg:$0x14];
	[sflag:s7] =	ssyncadd.s32 $0xFFFFD800  }
0x41: {  	[tilespmem:s6], [sflag:$0x7] =	stream.linear.gather [spmem:s28], $0x2800, $0x38;
	[tilespmem:$0x1E200] =	vst v63  }
0x42: {  	_ =	swait.ge [sflag:s7], $0x2800  }
0x43: {  	[sflag:s7] =	ssyncset.done $0x0  }
0x44: {  	s29 =	rddreg [dreg:$0x7];
	[sflag:s7] =	ssyncadd.s32 $0xFFFFD800  }
0x45: {  	[hbm4b:s29+s3] =	stream.linear.scatter [tilespmem:s6], [sflag:$0x7], $0x2800, $0x38;
	[tilespmem:$0x1E200] =	vst v63  }
0x46: {  	_ =	swait.ge [sflag:s7], $0x2800  }
0x47: {  	[sflag:s7] =	ssyncset.done $0x0  }
0x48: {  	s4 =	rddreg [dreg:$0x15];
	[sflag:s7] =	ssyncadd.s32 $0xFFFFD800  }
0x49: {  	[tilespmem:s6], [sflag:$0x7] =	stream.linear.gather [spmem:s4], $0x2800, $0x38;
	[tilespmem:$0x1E200] =	vst v63  }
0x4a: {  	_ =	swait.ge [sflag:s7], $0x2800  }
0x4b: {  	[sflag:s7] =	ssyncset.done $0x0  }
0x4c: {  	s28 =	rddreg [dreg:$0x8];
	[sflag:s7] =	ssyncadd.s32 $0xFFFFD800  }
0x4d: {  	[hbm4b:s28+s3] =	stream.linear.scatter [tilespmem:s6], [sflag:$0x7], $0x2800, $0x38;
	[tilespmem:$0x1E200] =	vst v63  }
0x4e: {  	_ =	swait.ge [sflag:s7], $0x2800  }
0x4f: {  	[sflag:s7] =	ssyncset.done $0x0  }
0x50: {  	s29 =	rddreg [dreg:$0x16];
	[sflag:s7] =	ssyncadd.s32 $0xFFFFD800  }
0x51: {  	[tilespmem:s6], [sflag:$0x7] =	stream.linear.gather [spmem:s29], $0x2800, $0x38;
	[tilespmem:$0x1E200] =	vst v63  }
0x52: {  	_ =	swait.ge [sflag:s7], $0x2800  }
0x53: {  	[sflag:s7] =	ssyncset.done $0x0  }
0x54: {  	s4 =	rddreg [dreg:$0x9];
	[sflag:s7] =	ssyncadd.s32 $0xFFFFD800  }
0x55: {  	[hbm4b:s4+s3] =	stream.linear.scatter [tilespmem:s6], [sflag:$0x7], $0x2800, $0x38;
	[tilespmem:$0x1E200] =	vst v63  }
0x56: {  	_ =	swait.ge [sflag:s7], $0x2800  }
0x57: {  	[sflag:s7] =	ssyncset.done $0x0  }
0x58: {  	s28 =	rddreg [dreg:$0x17];
	[sflag:s7] =	ssyncadd.s32 $0xFFFFD800  }
0x59: {  	[tilespmem:s6], [sflag:$0x7] =	stream.linear.gather [spmem:s28], $0x2800, $0x38;
	[tilespmem:$0x1E200] =	vst v63  }
0x5a: {  	_ =	swait.ge [sflag:s7], $0x2800  }
0x5b: {  	[sflag:s7] =	ssyncset.done $0x0  }
0x5c: {  	s29 =	rddreg [dreg:$0xa];
	[sflag:s7] =	ssyncadd.s32 $0xFFFFD800  }
0x5d: {  	[hbm4b:s29+s3] =	stream.linear.scatter [tilespmem:s6], [sflag:$0x7], $0x2800, $0x38;
	[tilespmem:$0x1E200] =	vst v63  }
0x5e: {  	_ =	swait.ge [sflag:s7], $0x2800  }
0x5f: {  	[sflag:s7] =	ssyncset.done $0x0  }
0x60: {  	s4 =	rddreg [dreg:$0x18];
	[sflag:s7] =	ssyncadd.s32 $0xFFFFD800  }
0x61: {  	[tilespmem:s6], [sflag:$0x7] =	stream.linear.gather [spmem:s4], $0x2800, $0x38;
	[tilespmem:$0x1E200] =	vst v63  }
0x62: {  	_ =	swait.ge [sflag:s7], $0x2800  }
0x63: {  	[sflag:s7] =	ssyncset.done $0x0  }
0x64: {  	s28 =	rddreg [dreg:$0xb];
	[sflag:s7] =	ssyncadd.s32 $0xFFFFD800  }
0x65: {  	[hbm4b:s28+s3] =	stream.linear.scatter [tilespmem:s6], [sflag:$0x7], $0x2800, $0x38;
	[tilespmem:$0x1E200] =	vst v63  }
0x66: {  	_ =	swait.ge [sflag:s7], $0x2800  }
0x67: {  	s26 =	sadd.s32 $0x1, s26;
	s29 =	rddreg [dreg:$0x11]  }
0x68: {  	p0 =	sne.s32 s26, s29  }
.Ltmp1:
0x69: {  	_ = 	snop;
	(pc) =	sbr.rel @!p0 .LBB2_11-.Ltmp1, $3  }
0x6a: {  	_ =	sdelay $0x1  }
0x6b: {  	[sflag:s7] =	ssyncset.done $0x0  }
0x6c: {  	[sflag:s7] =	ssyncadd.s32 $0xFFFFD800  }
.LBB2_1:
0x6d: {  	s28 =	simm.s32 $0x0;
	s29 =	simm.s32 $0x200  }
.LBB2_2:
0x6e: {  	p0 =	sne.s32 s29, $0x9E00;
	[tilespmem:s28+$0x270] =	vst v0  }
0x6f: {  	[tilespmem:s28+$0x200] =	vst v0  }
0x70: {  	[tilespmem:s28+$0x210] =	vst v0  }
.Ltmp2:
0x71: {  	[tilespmem:s28+$0x220] =	vst v0;
	(pc) =	sbr.rel @p0 .LBB2_2-.Ltmp2, $4  }
0x72: {  	[tilespmem:s28+$0x230] =	vst v0  }
0x73: {  	[tilespmem:s28+$0x240] =	vst v0  }
0x74: {  	[tilespmem:s28+$0x250] =	vst v0  }
0x75: {  	[tilespmem:s28+$0x260] =	vst v0;
	s28 =	sshra.s32 s29, $0x2;
	s29 =	sadd.s32 $0x200, s29  }
0x76: {  	[tilespmem:s28+$0x270] =	vst v0  }
0x77: {  	[tilespmem:s28+$0x200] =	vst v0  }
0x78: {  	[tilespmem:s28+$0x210] =	vst v0  }
0x79: {  	[tilespmem:s28+$0x220] =	vst v0  }
0x7a: {  	[tilespmem:s28+$0x230] =	vst v0  }
0x7b: {  	[tilespmem:s28+$0x240] =	vst v0  }
0x7c: {  	[tilespmem:s28+$0x250] =	vst v0  }
0x7d: {  	[tilespmem:s28+$0x260] =	vst v0  }
0x7e: {  	[spmem:s30] =	stream.linear.scatter [tilespmem:s6], [sflag:$0x7], $0x2800, $0x38;
	[tilespmem:$0x1E200] =	vst v63  }
0x7f: {  	_ =	swait.ge [sflag:s7], $0x2800  }
0x80: {  	[sflag:s7] =	ssyncset.done $0x0  }
0x81: {  	[sflag:s7] =	ssyncadd.s32 $0xFFFFD800  }
0x82: {  	[spmem:s31] =	stream.linear.scatter [tilespmem:s6], [sflag:$0x7], $0x2800, $0x38;
	[tilespmem:$0x1E200] =	vst v63  }
0x83: {  	_ =	swait.ge [sflag:s7], $0x2800  }
0x84: {  	[sflag:s7] =	ssyncset.done $0x0  }
0x85: {  	s0 =	rddreg [dreg:$0x13];
	[sflag:s7] =	ssyncadd.s32 $0xFFFFD800  }
0x86: {  	[spmem:s0] =	stream.linear.scatter [tilespmem:s6], [sflag:$0x7], $0x2800, $0x38;
	[tilespmem:$0x1E200] =	vst v63  }
0x87: {  	_ =	swait.ge [sflag:s7], $0x2800  }
0x88: {  	[sflag:s7] =	ssyncset.done $0x0  }
0x89: {  	s31 =	rddreg [dreg:$0x14];
	[sflag:s7] =	ssyncadd.s32 $0xFFFFD800  }
0x8a: {  	[spmem:s31] =	stream.linear.scatter [tilespmem:s6], [sflag:$0x7], $0x2800, $0x38;
	[tilespmem:$0x1E200] =	vst v63  }
0x8b: {  	_ =	swait.ge [sflag:s7], $0x2800  }
0x8c: {  	[sflag:s7] =	ssyncset.done $0x0  }
0x8d: {  	s29 =	rddreg [dreg:$0x15];
	[sflag:s7] =	ssyncadd.s32 $0xFFFFD800  }
0x8e: {  	[spmem:s29] =	stream.linear.scatter [tilespmem:s6], [sflag:$0x7], $0x2800, $0x38;
	[tilespmem:$0x1E200] =	vst v63  }
0x8f: {  	_ =	swait.ge [sflag:s7], $0x2800  }
0x90: {  	[sflag:s7] =	ssyncset.done $0x0  }
0x91: {  	s4 =	smov.u32 s30;
	s30 =	rddreg [dreg:$0x16];
	[sflag:s7] =	ssyncadd.s32 $0xFFFFD800  }
0x92: {  	[spmem:s30] =	stream.linear.scatter [tilespmem:s6], [sflag:$0x7], $0x2800, $0x38;
	[tilespmem:$0x1E200] =	vst v63  }
0x93: {  	_ =	swait.ge [sflag:s7], $0x2800  }
0x94: {  	[sflag:s7] =	ssyncset.done $0x0  }
0x95: {  	s31 =	rddreg [dreg:$0x17];
	[sflag:s7] =	ssyncadd.s32 $0xFFFFD800  }
0x96: {  	[spmem:s31] =	stream.linear.scatter [tilespmem:s6], [sflag:$0x7], $0x2800, $0x38;
	[tilespmem:$0x1E200] =	vst v63  }
0x97: {  	_ =	swait.ge [sflag:s7], $0x2800  }
0x98: {  	[sflag:s7] =	ssyncset.done $0x0  }
0x99: {  	s29 =	rddreg [dreg:$0x18];
	[sflag:s7] =	ssyncadd.s32 $0xFFFFD800  }
0x9a: {  	[spmem:s29] =	stream.linear.scatter [tilespmem:s6], [sflag:$0x7], $0x2800, $0x38;
	[tilespmem:$0x1E200] =	vst v63  }
0x9b: {  	_ =	swait.ge [sflag:s7], $0x2800  }
0x9c: {  	[sflag:s7] =	ssyncset.done $0x0  }
0x9d: {  	[sflag:s7] =	ssyncadd.s32 $0xFFFFD800  }
0x9e: {  	[bflag:$0x0] =	sbarrier.arrive $0xFFFF  }
0x9f: {  	s28 =	simm.s32 $0x0;
	s30 =	rddreg [dreg:$0xc]  }
0xa0: {  	[tilespmem:s28], [sflag:$0x1] =	stream.linear.gather [hbm4b:s30+s28], $0x50, $0x38;
	[tilespmem:$0x1E200] =	vst v63  }
0xa1: {  	s31 =	rddreg [dreg:$0xd]  }
0xa2: {  	[tilespmem:s8], [sflag:$0x1] =	stream.linear.gather [hbm4b:s31+s28], $0x50, $0x38;
	[tilespmem:$0x1E200] =	vst v63  }
0xa3: {  	_ =	swait.ge [sflag:s9], $0x50  }
0xa4: {  	[sflag:s9] =	ssyncset.done $0x0  }
0xa5: {  	[sflag:s9] =	ssyncadd.s32 $0xFFFFFFB0  }
0xa6: {  	_ =	swait.ge [sflag:s9], $0x50  }
0xa7: {  	[sflag:s9] =	ssyncset.done $0x0  }
0xa8: {  	[sflag:s9] =	ssyncadd.s32 $0xFFFFFFB0  }
0xa9: {  	[tilespmem:s6], [sflag:$0x3] =	stream.indirect.gather [hbm4b:s1+s10], $0x80, s28, s10, $0xb8;
	[tilespmem:$0x1E200] =	vst v63  }
0xaa: {  	s29 =	rddreg [dreg:$0xe]  }
0xab: {  	[tilespmem:s11], [sflag:$0x5] =	stream.linear.gather [hbm4b:s29+s28], $0x2800, $0x38;
	[tilespmem:$0x1E200] =	vst v63  }
0xac: {  	s30 =	rddreg [dreg:$0xf]  }
0xad: {  	[tilespmem:s12], [sflag:$0x2] =	stream.linear.gather [hbm4b:s30+s28], $0x50, $0x38;
	[tilespmem:$0x1E200] =	vst v63  }
0xae: {  	s31 =	rddreg [dreg:$0x10]  }
0xaf: {  	[tilespmem:s13], [sflag:$0x2] =	stream.linear.gather [hbm4b:s31+s28], $0x50, $0x38;
	[tilespmem:$0x1E200] =	vst v63  }
.LBB2_4:
0xb0: {  	_ =	swait.ge [sflag:s16], $0x50  }
0xb1: {  	[sflag:s16] =	ssyncset.done $0x0  }
0xb2: {  	s29 =	smul.u32 $0xA0, s28;
	[sflag:s16] =	ssyncadd.s32 $0xFFFFFFB0  }
0xb3: {  	_ =	swait.ge [sflag:s16], $0x50  }
0xb4: {  	s30 =	sadd.s32 s29, s21;
	[sflag:s16] =	ssyncset.done $0x0  }
0xb5: {  	s30 =	sshll.u32 s30, $0x4;
	[sflag:s16] =	ssyncadd.s32 $0xFFFFFFB0  }
0xb6: {  	[tilespmem:s17], [sflag:$0x4] =	stream.indirect.gather [hbm4b:s1+s10], $0x80, s12, s10, $0xb8;
	[tilespmem:$0x1E200] =	vst v63  }
0xb7: {  	s30 =	sadd.s32 s15, s30  }
0xb8: {  	[tilespmem:s18], [sflag:$0x6] =	stream.linear.gather [hbm4b:s30+s3], $0x2800, $0x38;
	[tilespmem:$0x1E200] =	vst v63  }
0xb9: {  	_ =	swait.ge [sflag:s19], $0x2800  }
0xba: {  	[sflag:s19] =	ssyncset.done $0x0  }
0xbb: {  	[sflag:s19] =	ssyncadd.s32 $0xFFFFD800  }
0xbc: {  	_ =	swait.ge [sflag:s20], $0x2800  }
0xbd: {  	[sflag:s20] =	ssyncset.done $0x0  }
0xbe: {  	s30 =	simm.s32 $0xF0;
	[sflag:s20] =	ssyncadd.s32 $0xFFFFD800  }
0xbf: {  	v7 =	vld [tilespmem:s30+$0x110]  }
0xc0: {  	v8 =	vld [tilespmem:s30+$0x120]  }
0xc1: {  	v9 =	vld [tilespmem:s30+$0x130]  }
0xc2: {  	v10 =	vld [tilespmem:s30+$0x140]  }
0xc3: {  	v11 =	vld [tilespmem:s30+$0x150]  }
0xc4: {  	v12 =	vld [tilespmem:s30+$0x160]  }
0xc5: {  	v13 =	vld [tilespmem:s30+$0x170]  }
0xc6: {  	v14 =	vld [tilespmem:s30+$0x180]  }
0xc7: {  	v15 =	vld [tilespmem:s30+$0x190]  }
0xc8: {  	v16 =	vld [tilespmem:s30+$0x1A0]  }
0xc9: {  	v6 =	vld [tilespmem:s30+$0x1B0]  }
0xca: {  	v5 =	vld [tilespmem:s30+$0x1C0]  }
0xcb: {  	v4 =	vld [tilespmem:s30+$0x1D0]  }
0xcc: {  	v17 =	vld [tilespmem:s30+$0x2910]  }
0xcd: {  	v18 =	vld [tilespmem:s30+$0x2920]  }
0xce: {  	v3 =	vld [tilespmem:s30+$0x1E0]  }
0xcf: {  	v19 =	vld [tilespmem:s30+$0x2930]  }
0xd0: {  	v20 =	vld [tilespmem:s30+$0x2940]  }
0xd1: {  	v2 =	vld [tilespmem:s30+$0x1F0];
	v7 =	vadd.f32 v17, v7  }
0xd2: {  	v21 =	vld [tilespmem:s30+$0x2950];
	v8 =	vadd.f32 v18, v8  }
0xd3: {  	v60 =	vld [tilespmem:s30+$0x2960];
	v7 =	vmax.f32 v7, $0.0e+00  }
0xd4: {  	v1 =	vld [tilespmem:s30+$0x200];
	v8 =	vmax.f32 v8, $0.0e+00;
	[tilespmem:s30+$0x2910] =	vst v7;
	v7 =	vadd.f32 v19, v9  }
0xd5: {  	v22 =	vld [tilespmem:s30+$0x2970];
	[tilespmem:s30+$0x2920] =	vst v8;
	v8 =	vadd.f32 v20, v10  }
0xd6: {  	v61 =	vld [tilespmem:s30+$0x2980];
	v7 =	vmax.f32 v7, $0.0e+00  }
0xd7: {  	v62 =	vld [tilespmem:s30+$0x2990];
	v9 =	vmax.f32 v8, $0.0e+00;
	[tilespmem:s30+$0x2930] =	vst v7;
	v7 =	vadd.f32 v21, v11  }
0xd8: {  	v63 =	vld [tilespmem:s30+$0x29A0];
	[tilespmem:s30+$0x2940] =	vst v9;
	v9 =	vadd.f32 v60, v12  }
0xd9: {  	v8 =	vld [tilespmem:s30+$0x29B0];
	v10 =	vmax.f32 v7, $0.0e+00  }
0xda: {  	v7 =	vld [tilespmem:s30+$0x29C0];
	v11 =	vmax.f32 v9, $0.0e+00;
	[tilespmem:s30+$0x2950] =	vst v10;
	v10 =	vadd.f32 v22, v13  }
0xdb: {  	v9 =	vld [tilespmem:s30+$0x29D0];
	[tilespmem:s30+$0x2960] =	vst v11;
	v11 =	vadd.f32 v61, v14  }
0xdc: {  	v13 =	vadd.f32 v62, v15;
	v12 =	vmax.f32 v10, $0.0e+00;
	v10 =	vld [tilespmem:s30+$0x29E0]  }
0xdd: {  	s31 =	simm.s32 $0x7C0;
	v14 =	vmax.f32 v11, $0.0e+00;
	v11 =	vld [tilespmem:s30+$0x29F0];
	[tilespmem:s30+$0x2970] =	vst v12;
	v12 =	vadd.f32 v63, v16  }
.LBB2_5:
0xde: {  	s0 =	sshra.s32 s31, $0x2;
	p0 =	sne.s32 s31, $0x9FC0;
	[tilespmem:s30+$0x2980] =	vst v14;
	v13 =	vmax.f32 v13, $0.0e+00;
	v6 =	vadd.f32 v8, v6;
	v8 =	vld [tilespmem:s30+$0x2A00]  }
0xdf: {  	v14 =	vld [tilespmem:s0+$0x110];
	[tilespmem:s30+$0x2990] =	vst v13;
	v12 =	vmax.f32 v12, $0.0e+00;
	v5 =	vadd.f32 v7, v5  }
0xe0: {  	v7 =	vld [tilespmem:s0+$0x120];
	[tilespmem:s30+$0x29A0] =	vst v12;
	v6 =	vmax.f32 v6, $0.0e+00;
	v4 =	vadd.f32 v9, v4  }
0xe1: {  	v9 =	vld [tilespmem:s0+$0x130];
	[tilespmem:s30+$0x29B0] =	vst v6;
	v5 =	vmax.f32 v5, $0.0e+00;
	v3 =	vadd.f32 v10, v3  }
0xe2: {  	v10 =	vld [tilespmem:s0+$0x140];
	[tilespmem:s30+$0x29C0] =	vst v5;
	v4 =	vmax.f32 v4, $0.0e+00;
	v2 =	vadd.f32 v11, v2  }
0xe3: {  	v11 =	vld [tilespmem:s0+$0x150];
	[tilespmem:s30+$0x29D0] =	vst v4;
	v3 =	vmax.f32 v3, $0.0e+00;
	v1 =	vadd.f32 v8, v1  }
0xe4: {  	v8 =	vld [tilespmem:s0+$0x160];
	[tilespmem:s30+$0x29E0] =	vst v3;
	v2 =	vmax.f32 v2, $0.0e+00  }
0xe5: {  	v12 =	vld [tilespmem:s0+$0x170];
	[tilespmem:s30+$0x29F0] =	vst v2;
	v1 =	vmax.f32 v1, $0.0e+00  }
0xe6: {  	v13 =	vld [tilespmem:s0+$0x180];
	[tilespmem:s30+$0x2A00] =	vst v1;
	s30 =	smov.u32 s0  }
0xe7: {  	v15 =	vld [tilespmem:s30+$0x190]  }
0xe8: {  	v16 =	vld [tilespmem:s30+$0x1A0]  }
0xe9: {  	v6 =	vld [tilespmem:s30+$0x1B0]  }
0xea: {  	v5 =	vld [tilespmem:s30+$0x1C0]  }
0xeb: {  	v4 =	vld [tilespmem:s30+$0x1D0]  }
0xec: {  	v3 =	vld [tilespmem:s30+$0x1E0]  }
0xed: {  	v2 =	vld [tilespmem:s30+$0x1F0]  }
0xee: {  	v1 =	vld [tilespmem:s30+$0x200]  }
0xef: {  	v17 =	vld [tilespmem:s30+$0x2910]  }
0xf0: {  	v18 =	vld [tilespmem:s30+$0x2920]  }
0xf1: {  	v19 =	vld [tilespmem:s30+$0x2930]  }
0xf2: {  	v20 =	vld [tilespmem:s30+$0x2940]  }
0xf3: {  	v21 =	vld [tilespmem:s30+$0x2950]  }
0xf4: {  	v14 =	vadd.f32 v17, v14;
	v17 =	vld [tilespmem:s30+$0x2960]  }
0xf5: {  	v7 =	vadd.f32 v18, v7;
	v18 =	vld [tilespmem:s30+$0x2970]  }
0xf6: {  	v14 =	vmax.f32 v14, $0.0e+00;
	v9 =	vadd.f32 v19, v9;
	v19 =	vld [tilespmem:s30+$0x2980]  }
0xf7: {  	[tilespmem:s30+$0x2910] =	vst v14;
	v7 =	vmax.f32 v7, $0.0e+00;
	v10 =	vadd.f32 v20, v10;
	v14 =	vld [tilespmem:s30+$0x2990]  }
0xf8: {  	[tilespmem:s30+$0x2920] =	vst v7;
	v7 =	vmax.f32 v9, $0.0e+00;
	v9 =	vadd.f32 v21, v11;
	v11 =	vld [tilespmem:s30+$0x29A0]  }
.Ltmp3:
0xf9: {  	[tilespmem:s30+$0x2930] =	vst v7;
	v7 =	vmax.f32 v10, $0.0e+00;
	v10 =	vadd.f32 v17, v8;
	v8 =	vld [tilespmem:s30+$0x29B0];
	(pc) =	sbr.rel @p0 .LBB2_5-.Ltmp3, $4  }
0xfa: {  	[tilespmem:s30+$0x2940] =	vst v7;
	v9 =	vmax.f32 v9, $0.0e+00;
	v12 =	vadd.f32 v18, v12;
	v7 =	vld [tilespmem:s30+$0x29C0]  }
0xfb: {  	[tilespmem:s30+$0x2950] =	vst v9;
	v10 =	vmax.f32 v10, $0.0e+00;
	v17 =	vadd.f32 v19, v13;
	v9 =	vld [tilespmem:s30+$0x29D0]  }
0xfc: {  	[tilespmem:s30+$0x2960] =	vst v10;
	v12 =	vmax.f32 v12, $0.0e+00;
	v13 =	vadd.f32 v14, v15;
	v10 =	vld [tilespmem:s30+$0x29E0]  }
0xfd: {  	s31 =	sadd.s32 $0x400, s31;
	[tilespmem:s30+$0x2970] =	vst v12;
	v14 =	vmax.f32 v17, $0.0e+00;
	v12 =	vadd.f32 v11, v16;
	v11 =	vld [tilespmem:s30+$0x29F0]  }
0xfe: {  	[tilespmem:s30+$0x2980] =	vst v14;
	v13 =	vmax.f32 v13, $0.0e+00;
	v6 =	vadd.f32 v8, v6;
	v8 =	vld [tilespmem:s30+$0x2A00]  }
0xff: {  	[tilespmem:s30+$0x2990] =	vst v13;
	v12 =	vmax.f32 v12, $0.0e+00;
	v5 =	vadd.f32 v7, v5  }
0x100: {  	[tilespmem:s30+$0x29A0] =	vst v12;
	v6 =	vmax.f32 v6, $0.0e+00;
	v4 =	vadd.f32 v9, v4  }
0x101: {  	[tilespmem:s30+$0x29B0] =	vst v6;
	v5 =	vmax.f32 v5, $0.0e+00;
	v3 =	vadd.f32 v10, v3  }
0x102: {  	[tilespmem:s30+$0x29C0] =	vst v5;
	v4 =	vmax.f32 v4, $0.0e+00;
	v2 =	vadd.f32 v11, v2  }
0x103: {  	[tilespmem:s30+$0x29D0] =	vst v4;
	v3 =	vmax.f32 v3, $0.0e+00;
	v1 =	vadd.f32 v8, v1  }
0x104: {  	[tilespmem:s30+$0x29E0] =	vst v3;
	v2 =	vmax.f32 v2, $0.0e+00  }
0x105: {  	[tilespmem:s30+$0x29F0] =	vst v2;
	v1 =	vmax.f32 v1, $0.0e+00  }
0x106: {  	p0 =	seq.s32 s28, $0x3F;
	[tilespmem:s30+$0x2A00] =	vst v1  }
0x107: {  	[spmem:s2] =	stream.indirect.scatter.add.f32 [tilespmem:s11], [sflag:$0x7], $0x80, s8, s10, $0xb8;
	[tilespmem:$0x1E200] =	vst v63  }
0x108: {  	s0 =	sadd.s32 @!p0 s29, s22;
	_ =	swait.ge [sflag:s7], $0x2800  }
0x109: {  	s0 =	sshrl.u32 @!p0 s0, $0x3;
	[sflag:s7] =	ssyncset.done $0x0  }
0x10a: {  	s31 =	simm.s32 @!p0 $0x0;
	s30 =	sadd.s32 @!p0 s5, s0;
	[sflag:s7] =	ssyncadd.s32 $0xFFFFD800  }
0x10b: {  	[tilespmem:s31], [sflag:$0x1] =	stream.linear.gather @!p0 [hbm4b:s30+s31], $0x50, $0x38;
	[tilespmem:$0x1E200] =	vst v63  }
0x10c: {  	s0 =	sadd.s32 @!p0 s14, s0;
	s30 =	simm.s32 @!p0 $0x80  }
0x10d: {  	[tilespmem:s30], [sflag:$0x1] =	stream.linear.gather @!p0 [hbm4b:s0+s31], $0x50, $0x38;
	[tilespmem:$0x1E200] =	vst v63  }
0x10e: {  	_ =	swait.ge [sflag:s25], $0x2800  }
0x10f: {  	[sflag:s25] =	ssyncset.done $0x0  }
0x110: {  	[sflag:s25] =	ssyncadd.s32 $0xFFFFD800  }
0x111: {  	_ =	swait.ge [sflag:s24], $0x2800  }
0x112: {  	[sflag:s24] =	ssyncset.done $0x0  }
0x113: {  	s30 =	simm.s32 $0xF0;
	[sflag:s24] =	ssyncadd.s32 $0xFFFFD800  }
0x114: {  	v7 =	vld [tilespmem:s30+$0x5110]  }
0x115: {  	v8 =	vld [tilespmem:s30+$0x5120]  }
0x116: {  	v9 =	vld [tilespmem:s30+$0x5130]  }
0x117: {  	v10 =	vld [tilespmem:s30+$0x5140]  }
0x118: {  	v11 =	vld [tilespmem:s30+$0x5150]  }
0x119: {  	v12 =	vld [tilespmem:s30+$0x5160]  }
0x11a: {  	v13 =	vld [tilespmem:s30+$0x5170]  }
0x11b: {  	v14 =	vld [tilespmem:s30+$0x5180]  }
0x11c: {  	v15 =	vld [tilespmem:s30+$0x5190]  }
0x11d: {  	v16 =	vld [tilespmem:s30+$0x51A0]  }
0x11e: {  	v6 =	vld [tilespmem:s30+$0x51B0]  }
0x11f: {  	v5 =	vld [tilespmem:s30+$0x51C0]  }
0x120: {  	v4 =	vld [tilespmem:s30+$0x51D0]  }
0x121: {  	v17 =	vld [tilespmem:s30+$0x7910]  }
0x122: {  	v18 =	vld [tilespmem:s30+$0x7920]  }
0x123: {  	v3 =	vld [tilespmem:s30+$0x51E0]  }
0x124: {  	v19 =	vld [tilespmem:s30+$0x7930]  }
0x125: {  	v20 =	vld [tilespmem:s30+$0x7940]  }
0x126: {  	v2 =	vld [tilespmem:s30+$0x51F0];
	v7 =	vadd.f32 v17, v7  }
0x127: {  	v21 =	vld [tilespmem:s30+$0x7950];
	v8 =	vadd.f32 v18, v8  }
0x128: {  	v60 =	vld [tilespmem:s30+$0x7960];
	v7 =	vmax.f32 v7, $0.0e+00  }
0x129: {  	v1 =	vld [tilespmem:s30+$0x5200];
	v8 =	vmax.f32 v8, $0.0e+00;
	[tilespmem:s30+$0x7910] =	vst v7;
	v7 =	vadd.f32 v19, v9  }
0x12a: {  	v22 =	vld [tilespmem:s30+$0x7970];
	[tilespmem:s30+$0x7920] =	vst v8;
	v8 =	vadd.f32 v20, v10  }
0x12b: {  	v61 =	vld [tilespmem:s30+$0x7980];
	v7 =	vmax.f32 v7, $0.0e+00  }
0x12c: {  	v62 =	vld [tilespmem:s30+$0x7990];
	v9 =	vmax.f32 v8, $0.0e+00;
	[tilespmem:s30+$0x7930] =	vst v7;
	v7 =	vadd.f32 v21, v11  }
0x12d: {  	v63 =	vld [tilespmem:s30+$0x79A0];
	[tilespmem:s30+$0x7940] =	vst v9;
	v9 =	vadd.f32 v60, v12  }
0x12e: {  	v8 =	vld [tilespmem:s30+$0x79B0];
	v10 =	vmax.f32 v7, $0.0e+00  }
0x12f: {  	v7 =	vld [tilespmem:s30+$0x79C0];
	v11 =	vmax.f32 v9, $0.0e+00;
	[tilespmem:s30+$0x7950] =	vst v10;
	v10 =	vadd.f32 v22, v13  }
0x130: {  	v9 =	vld [tilespmem:s30+$0x79D0];
	[tilespmem:s30+$0x7960] =	vst v11;
	v11 =	vadd.f32 v61, v14  }
0x131: {  	v13 =	vadd.f32 v62, v15;
	v12 =	vmax.f32 v10, $0.0e+00;
	v10 =	vld [tilespmem:s30+$0x79E0]  }
0x132: {  	s31 =	simm.s32 $0x7C0;
	v14 =	vmax.f32 v11, $0.0e+00;
	v11 =	vld [tilespmem:s30+$0x79F0];
	[tilespmem:s30+$0x7970] =	vst v12;
	v12 =	vadd.f32 v63, v16  }
.LBB2_7:
0x133: {  	s0 =	sshra.s32 s31, $0x2;
	p1 =	sne.s32 s31, $0x9FC0;
	[tilespmem:s30+$0x7980] =	vst v14;
	v13 =	vmax.f32 v13, $0.0e+00;
	v6 =	vadd.f32 v8, v6;
	v8 =	vld [tilespmem:s30+$0x7A00]  }
0x134: {  	v14 =	vld [tilespmem:s0+$0x5110];
	[tilespmem:s30+$0x7990] =	vst v13;
	v12 =	vmax.f32 v12, $0.0e+00;
	v5 =	vadd.f32 v7, v5  }
0x135: {  	v7 =	vld [tilespmem:s0+$0x5120];
	[tilespmem:s30+$0x79A0] =	vst v12;
	v6 =	vmax.f32 v6, $0.0e+00;
	v4 =	vadd.f32 v9, v4  }
0x136: {  	v9 =	vld [tilespmem:s0+$0x5130];
	[tilespmem:s30+$0x79B0] =	vst v6;
	v5 =	vmax.f32 v5, $0.0e+00;
	v3 =	vadd.f32 v10, v3  }
0x137: {  	v10 =	vld [tilespmem:s0+$0x5140];
	[tilespmem:s30+$0x79C0] =	vst v5;
	v4 =	vmax.f32 v4, $0.0e+00;
	v2 =	vadd.f32 v11, v2  }
0x138: {  	v11 =	vld [tilespmem:s0+$0x5150];
	[tilespmem:s30+$0x79D0] =	vst v4;
	v3 =	vmax.f32 v3, $0.0e+00;
	v1 =	vadd.f32 v8, v1  }
0x139: {  	v8 =	vld [tilespmem:s0+$0x5160];
	[tilespmem:s30+$0x79E0] =	vst v3;
	v2 =	vmax.f32 v2, $0.0e+00  }
0x13a: {  	v12 =	vld [tilespmem:s0+$0x5170];
	[tilespmem:s30+$0x79F0] =	vst v2;
	v1 =	vmax.f32 v1, $0.0e+00  }
0x13b: {  	v13 =	vld [tilespmem:s0+$0x5180];
	[tilespmem:s30+$0x7A00] =	vst v1;
	s30 =	smov.u32 s0  }
0x13c: {  	v15 =	vld [tilespmem:s30+$0x5190]  }
0x13d: {  	v16 =	vld [tilespmem:s30+$0x51A0]  }
0x13e: {  	v6 =	vld [tilespmem:s30+$0x51B0]  }
0x13f: {  	v5 =	vld [tilespmem:s30+$0x51C0]  }
0x140: {  	v4 =	vld [tilespmem:s30+$0x51D0]  }
0x141: {  	v3 =	vld [tilespmem:s30+$0x51E0]  }
0x142: {  	v2 =	vld [tilespmem:s30+$0x51F0]  }
0x143: {  	v1 =	vld [tilespmem:s30+$0x5200]  }
0x144: {  	v17 =	vld [tilespmem:s30+$0x7910]  }
0x145: {  	v18 =	vld [tilespmem:s30+$0x7920]  }
0x146: {  	v19 =	vld [tilespmem:s30+$0x7930]  }
0x147: {  	v20 =	vld [tilespmem:s30+$0x7940]  }
0x148: {  	v21 =	vld [tilespmem:s30+$0x7950]  }
0x149: {  	v14 =	vadd.f32 v17, v14;
	v17 =	vld [tilespmem:s30+$0x7960]  }
0x14a: {  	v7 =	vadd.f32 v18, v7;
	v18 =	vld [tilespmem:s30+$0x7970]  }
0x14b: {  	v14 =	vmax.f32 v14, $0.0e+00;
	v9 =	vadd.f32 v19, v9;
	v19 =	vld [tilespmem:s30+$0x7980]  }
0x14c: {  	[tilespmem:s30+$0x7910] =	vst v14;
	v7 =	vmax.f32 v7, $0.0e+00;
	v10 =	vadd.f32 v20, v10;
	v14 =	vld [tilespmem:s30+$0x7990]  }
0x14d: {  	[tilespmem:s30+$0x7920] =	vst v7;
	v7 =	vmax.f32 v9, $0.0e+00;
	v9 =	vadd.f32 v21, v11;
	v11 =	vld [tilespmem:s30+$0x79A0]  }
.Ltmp4:
0x14e: {  	[tilespmem:s30+$0x7930] =	vst v7;
	v7 =	vmax.f32 v10, $0.0e+00;
	v10 =	vadd.f32 v17, v8;
	v8 =	vld [tilespmem:s30+$0x79B0];
	(pc) =	sbr.rel @p1 .LBB2_7-.Ltmp4, $4  }
0x14f: {  	[tilespmem:s30+$0x7940] =	vst v7;
	v9 =	vmax.f32 v9, $0.0e+00;
	v12 =	vadd.f32 v18, v12;
	v7 =	vld [tilespmem:s30+$0x79C0]  }
0x150: {  	[tilespmem:s30+$0x7950] =	vst v9;
	v10 =	vmax.f32 v10, $0.0e+00;
	v17 =	vadd.f32 v19, v13;
	v9 =	vld [tilespmem:s30+$0x79D0]  }
0x151: {  	[tilespmem:s30+$0x7960] =	vst v10;
	v12 =	vmax.f32 v12, $0.0e+00;
	v13 =	vadd.f32 v14, v15;
	v10 =	vld [tilespmem:s30+$0x79E0]  }
0x152: {  	s31 =	sadd.s32 $0x400, s31;
	[tilespmem:s30+$0x7970] =	vst v12;
	v14 =	vmax.f32 v17, $0.0e+00;
	v12 =	vadd.f32 v11, v16;
	v11 =	vld [tilespmem:s30+$0x79F0]  }
0x153: {  	[tilespmem:s30+$0x7980] =	vst v14;
	v13 =	vmax.f32 v13, $0.0e+00;
	v6 =	vadd.f32 v8, v6;
	v63 =	vld [tilespmem:s30+$0x7A00]  }
0x154: {  	[tilespmem:s30+$0x7990] =	vst v13;
	v12 =	vmax.f32 v12, $0.0e+00;
	v5 =	vadd.f32 v7, v5  }
0x155: {  	[tilespmem:s30+$0x79A0] =	vst v12;
	v6 =	vmax.f32 v6, $0.0e+00;
	v4 =	vadd.f32 v9, v4  }
0x156: {  	[tilespmem:s30+$0x79B0] =	vst v6;
	v5 =	vmax.f32 v5, $0.0e+00;
	v3 =	vadd.f32 v10, v3  }
0x157: {  	[tilespmem:s30+$0x79C0] =	vst v5;
	v4 =	vmax.f32 v4, $0.0e+00;
	v2 =	vadd.f32 v11, v2  }
0x158: {  	[tilespmem:s30+$0x79D0] =	vst v4;
	v3 =	vmax.f32 v3, $0.0e+00;
	v1 =	vadd.f32 v63, v1  }
0x159: {  	[tilespmem:s30+$0x79E0] =	vst v3;
	v2 =	vmax.f32 v2, $0.0e+00  }
0x15a: {  	[tilespmem:s30+$0x79F0] =	vst v2;
	v1 =	vmax.f32 v1, $0.0e+00  }
.Ltmp5:
0x15b: {  	[tilespmem:s30+$0x7A00] =	vst v1;
	(pc) =	sbr.rel @p0 .LBB2_10-.Ltmp5, $4  }
0x15c: {  	[spmem:s2] =	stream.indirect.scatter.add.f32 [tilespmem:s18], [sflag:$0x7], $0x80, s13, s10, $0xb8;
	[tilespmem:$0x1E200] =	vst v63  }
0x15d: {  	_ =	swait.ge [sflag:s7], $0x2800  }
0x15e: {  	[sflag:s7] =	ssyncset.done $0x0  }
0x15f: {  	[sflag:s7] =	ssyncadd.s32 $0xFFFFD800  }
0x160: {  	_ =	swait.ge [sflag:s9], $0x50  }
0x161: {  	[sflag:s9] =	ssyncset.done $0x0  }
0x162: {  	[sflag:s9] =	ssyncadd.s32 $0xFFFFFFB0  }
0x163: {  	_ =	swait.ge [sflag:s9], $0x50  }
0x164: {  	s0 =	sadd.s32 s29, s22;
	[sflag:s9] =	ssyncset.done $0x0  }
0x165: {  	s0 =	sshll.u32 s0, $0x4;
	[sflag:s9] =	ssyncadd.s32 $0xFFFFFFB0  }
0x166: {  	[tilespmem:s6], [sflag:$0x3] =	stream.indirect.gather [hbm4b:s1+s10], $0x80, s3, s10, $0xb8;
	[tilespmem:$0x1E200] =	vst v63  }
0x167: {  	s30 =	sadd.s32 s29, s23;
	s0 =	sadd.s32 s15, s0  }
0x168: {  	[tilespmem:s11], [sflag:$0x5] =	stream.linear.gather [hbm4b:s0+s3], $0x2800, $0x38;
	[tilespmem:$0x1E200] =	vst v63  }
.Ltmp6:
0x169: {  	s0 =	sshrl.u32 s30, $0x3;
	(pc) =	sbr.rel .LBB2_4-.Ltmp6, $4  }
0x16a: {  	s31 =	sadd.s32 s5, s0  }
0x16b: {  	[tilespmem:s12], [sflag:$0x2] =	stream.linear.gather [hbm4b:s31+s3], $0x50, $0x38;
	[tilespmem:$0x1E200] =	vst v63  }
0x16c: {  	s28 =	sadd.s32 $0x1, s28;
	s0 =	sadd.s32 s14, s0  }
0x16d: {  	[tilespmem:s13], [sflag:$0x2] =	stream.linear.gather [hbm4b:s0+s3], $0x50, $0x38;
	[tilespmem:$0x1E200] =	vst v63  }
.LBB2_11:
0x16e: {  	_ =	sfence.sel $0x180000  }
0x16f: {  	[bflag:$0x0] =	sbarrier.arrive $0xFFFF  }
0x170: {  	_ =	strace $0x90000047  }
0x171: {  	s0 =	stileid.u32;
	[bflag:$0x2] =	sbarrier.arrive $0xFFFF  }
0x172: {  	p0 =	sne.s32 s0, $0x0;
	s0 =	rddreg [dreg:$0x3]  }
0x173: {  	s0 =	sadd.s32 @!p0 $0x100000, s0  }
0x174: {  	[sflag:s0] =	ssyncadd.tile.s32 @!p0 $0x1;
	_ =	shalt  }
.Lfunc_end2:
_tile_overlayer_lowered:
.L_overlay_start_2:
0x175: {  	(tag) =	ssettag $0x2  }
0x176: {  	s0 =	rddreg [dreg:$0x0];
	s2 =	stileid.u32  }
0x177: {  	s1 =	rddreg [dreg:$0x1];
	p0 =	sne.s32 s2, $0x0  }
0x178: {  	s3 =	rddreg [dreg:$0x2];
	[bflag:$0x3] =	sbarrier.arrive $0xFFFF;
	s2 =	simm.s32 @!p0 $0x1C07  }
0x179: {  	[timem:s3], [sflag:s2] =	dma.local @!p0 [hbm:s0], s1  }
0x17a: {  	s0 =	simm.s32 @!p0 $0x7  }
0x17b: {  	_ =	swait.ge @!p0 [sflag:s0], s1  }
0x17c: {  	s1 =	ssub.s32 @!p0 $0x0, s1;
	[sflag:s0] =	ssyncset.done @!p0 $0x0  }
0x17d: {  	[sflag:s0] =	ssyncadd.s32 @!p0 s1  }
0x17e: {  	[bflag:$0x3] =	sbarrier.arrive $0xFFFF  }
0x17f: {  	_ =	shalt  }

</sc_bundles>
